<compile_context>
chip_gen: v7x
topology: tpu7x:2x2x1
jax: 0.10.2.dev20260603
libtpu: 0.0.44.dev20260713+nightly
codegen_flags: <defaults>
</compile_context>

<pallas_src>
import functools

import jax
import jax.numpy as jnp
from jax import lax
from jax.experimental import pallas as pl
from jax.experimental.pallas import tpu as pltpu
from jax.experimental.pallas import tpu_sc as plsc

D = 128
NW = 32
LANES = 128
G = 1
NBUF = 5


def _i32(x):
    return jnp.int32(x)


@functools.lru_cache(maxsize=None)
def _make_gather(n_rows: int):
    assert n_rows % (NW * G * LANES) == 0
    C = n_rows // (NW * G * LANES)
    assert C > 2 * NBUF
    K = (C - NBUF) // NBUF
    mesh = plsc.VectorSubcoreMesh(core_axis_name="c", subcore_axis_name="s")

    @functools.partial(
        pl.kernel,
        mesh=mesh,
        out_type=jax.ShapeDtypeStruct((NW * C, G * LANES, D), jnp.float32),
        scratch_types=[
            pltpu.VMEM((C, G * LANES), jnp.int32),
            pltpu.VMEM((NBUF, G * LANES, D), jnp.float32),
        ]
        + [pltpu.SemaphoreType.DMA] * (2 * NBUF),
    )
    def gather_kernel(idx_hbm, table_hbm, out_hbm, idx_v, bufs, *sems):
        gsem = sems[:NBUF]
        ssem = sems[NBUF:]
        wid = lax.axis_index("s") * 2 + lax.axis_index("c")
        cbase = wid * _i32(C)
        pltpu.sync_copy(idx_hbm.at[wid], idx_v)

        def start_gather(chunk, b):
            pltpu.async_copy(
                table_hbm.at[idx_v.at[chunk]], bufs.at[_i32(b)], gsem[b])

        def start_store(chunk, b):
            pltpu.async_copy(
                bufs.at[_i32(b)], out_hbm.at[cbase + chunk], ssem[b])

        def wait_gather(b):
            pltpu.make_async_copy(
                table_hbm.at[idx_v.at[_i32(0)]], bufs.at[_i32(b)], gsem[b]
            ).wait()

        def wait_store(b):
            pltpu.make_async_copy(
                bufs.at[_i32(b)], out_hbm.at[cbase], ssem[b]).wait()

        def recycle(j, b):
            wait_store(b)
            start_gather(j + _i32(NBUF - 1), b)

        def retire(j, b):
            wait_gather(b)
            start_store(j, b)

        for b in range(NBUF):
            start_gather(_i32(b), b)
        retire(_i32(0), 0)

        @pl.loop(_i32(1), _i32(1 + K * NBUF), step=_i32(NBUF))
        def body(jj):
            for u in range(NBUF):
                j = jj + _i32(u)
                recycle(j, u % NBUF)
                retire(j, (1 + u) % NBUF)

        for j in range(1 + K * NBUF, C - NBUF + 1):
            recycle(_i32(j), (j - 1) % NBUF)
            retire(_i32(j), j % NBUF)

        for j in range(C - NBUF + 1, C):
            retire(_i32(j), j % NBUF)
        for b in range(NBUF):
            wait_store(b)

    return gather_kernel


def kernel(input_seq, table):
    B, S = input_seq.shape
    n = B * S
    idx = input_seq.astype(jnp.int32).reshape(
        NW, n // (NW * G * LANES), G * LANES)
    table = table.astype(jnp.float32)
    out = _make_gather(n)(idx, table)
    return out.reshape(B, S, D)

# --- scband reference (transcript-rebuilt; emitter-appended) ---
"""Pipeline reference for scband-baisc-embedder-2405181686541 (READ-ONLY COPY).

The authoritative reference and input builder live on the scoring server;
editing this copy changes nothing except your own understanding.
"""

import jax
jax.config.update("jax_enable_x64", True)
import jax.numpy as jnp
import numpy as np

VOCAB = 100000
EMBED_DIM = 128
BATCH = 4096
SEQ_LEN = 200
PADDING_IDX = 0


def setup_inputs(seed: int = 0) -> dict:
    key = jax.random.key(seed)
    k_idx, k_tab = jax.random.split(key)
    input_seq = jax.random.randint(k_idx, (BATCH, SEQ_LEN), 0, VOCAB, dtype=jnp.int64)
    table = jax.random.normal(k_tab, (VOCAB, EMBED_DIM), dtype=jnp.float32)
    # nn.Embedding with padding_idx=0 keeps row 0 at zero
    table = table.at[PADDING_IDX].set(0.0)
    return {"input_seq": input_seq, "table": table}


def reference(input_seq, table):
    # Embedding lookup (gather). Dropout is identity in eval mode.
    embedding_output = jnp.take(table, input_seq, axis=0)
    return embedding_output

if __name__ == "__main__":
    import jax
    _d = setup_inputs()
    print(jax.jit(kernel)(*tuple(_d.values())))

</pallas_src>

<mosaic_0001>
#map = affine_map<(d0, d1) -> (0, 0, 0)>
#map1 = affine_map<(d0, d1) -> (0, 0)>
module attributes {stable_mosaic.version = 14 : i64} {
  func.func @gather_kernel(%arg0: i32, %arg1: i32, %arg2: memref<32x200x128xi32, #tpu.memory_space<hbm>>, %arg3: memref<100000x128xf32, #tpu.memory_space<hbm>>, %arg4: memref<6400x128x128xf32, #tpu.memory_space<hbm>>, %arg5: memref<200x128xi32, #tpu.memory_space<vmem>>, %arg6: memref<5x128x128xf32, #tpu.memory_space<vmem>>, %arg7: memref<!tpu.dma_semaphore, #tpu.memory_space<semaphore_mem>>, %arg8: memref<!tpu.dma_semaphore, #tpu.memory_space<semaphore_mem>>, %arg9: memref<!tpu.dma_semaphore, #tpu.memory_space<semaphore_mem>>, %arg10: memref<!tpu.dma_semaphore, #tpu.memory_space<semaphore_mem>>, %arg11: memref<!tpu.dma_semaphore, #tpu.memory_space<semaphore_mem>>, %arg12: memref<!tpu.dma_semaphore, #tpu.memory_space<semaphore_mem>>, %arg13: memref<!tpu.dma_semaphore, #tpu.memory_space<semaphore_mem>>, %arg14: memref<!tpu.dma_semaphore, #tpu.memory_space<semaphore_mem>>, %arg15: memref<!tpu.dma_semaphore, #tpu.memory_space<semaphore_mem>>, %arg16: memref<!tpu.dma_semaphore, #tpu.memory_space<semaphore_mem>>) attributes {dimension_semantics = [#tpu.dimension_semantics<core_parallel>, #tpu.dimension_semantics<subcore_parallel>], iteration_bounds = array<i64: 2, 16>, scalar_prefetch = 0 : i64, scratch_operands = 12 : i64, tpu.core_type = #tpu.core_type<sc_vector_subcore>, window_params = [{transform_indices = #map}, {transform_indices = #map1}, {transform_indices = #map}]} {
    %mul3A = arith.constant 2 : i32
    %mul3A_0 = arith.muli %arg1, %mul3A : i32
    %add3A = arith.addi %mul3A_0, %arg0 : i32
    %mul3A_1 = arith.constant 200 : i32
    %mul3A_2 = arith.muli %add3A, %mul3A_1 : i32
    "tpu.region"() ({
      %run_scoped3A = tpu.sem_alloc : memref<!tpu.dma_semaphore, #tpu.memory_space<semaphore_mem>>
      %dma_start3A_318 = arith.constant 0 : i32
      %dma_start3A_319 = arith.constant 0 : i32
      %dma_start3A_320 = tpu.memref_slice %arg2[%add3A, %dma_start3A_318, %dma_start3A_319] : memref<32x200x128xi32, #tpu.memory_space<hbm>> -> memref<1x200x128xi32, #tpu.memory_space<hbm>>
      %dma_start3A_321 = tpu.memref_squeeze %dma_start3A_320 : memref<1x200x128xi32, #tpu.memory_space<hbm>> -> memref<200x128xi32, #tpu.memory_space<hbm>>
      %dma_start3A_322 = arith.constant 0 : i32
      %dma_start3A_323 = arith.constant 0 : i32
      %dma_start3A_324 = tpu.memref_slice %arg2[%add3A, %dma_start3A_322, %dma_start3A_323] : memref<32x200x128xi32, #tpu.memory_space<hbm>> -> memref<1x200x128xi32, #tpu.memory_space<hbm>>
      %dma_start3A_325 = tpu.memref_squeeze %dma_start3A_324 : memref<1x200x128xi32, #tpu.memory_space<hbm>> -> memref<200x128xi32, #tpu.memory_space<hbm>>
      tpu.enqueue_dma source(%dma_start3A_325 : memref<200x128xi32, #tpu.memory_space<hbm>>) target(%arg5 : memref<200x128xi32, #tpu.memory_space<vmem>>) target_semaphore(%run_scoped3A : memref<!tpu.dma_semaphore, #tpu.memory_space<semaphore_mem>>)
      %dma_wait3A_326 = arith.constant 0 : i32
      %dma_wait3A_327 = arith.constant 0 : i32
      %dma_wait3A_328 = tpu.memref_slice %arg2[%add3A, %dma_wait3A_326, %dma_wait3A_327] : memref<32x200x128xi32, #tpu.memory_space<hbm>> -> memref<1x200x128xi32, #tpu.memory_space<hbm>>
      %dma_wait3A_329 = tpu.memref_squeeze %dma_wait3A_328 : memref<1x200x128xi32, #tpu.memory_space<hbm>> -> memref<200x128xi32, #tpu.memory_space<hbm>>
      %dma_wait3A_330 = arith.constant 0 : i32
      %dma_wait3A_331 = arith.constant 0 : i32
      %dma_wait3A_332 = tpu.memref_slice %arg2[%add3A, %dma_wait3A_330, %dma_wait3A_331] : memref<32x200x128xi32, #tpu.memory_space<hbm>> -> memref<1x200x128xi32, #tpu.memory_space<hbm>>
      %dma_wait3A_333 = tpu.memref_squeeze %dma_wait3A_332 : memref<1x200x128xi32, #tpu.memory_space<hbm>> -> memref<200x128xi32, #tpu.memory_space<hbm>>
      tpu.wait_dma2 semaphore(%run_scoped3A : memref<!tpu.dma_semaphore, #tpu.memory_space<semaphore_mem>>) src(%dma_wait3A_333 : memref<200x128xi32, #tpu.memory_space<hbm>>) dst(%arg5 : memref<200x128xi32, #tpu.memory_space<vmem>>)
      tpu.yield
    }) : () -> ()
    %dma_start3A = arith.constant 0 : i32
    %dma_start3A_3 = arith.constant 0 : i32
    %dma_start3A_4 = arith.constant 0 : i32
    %dma_start3A_5 = arith.constant 0 : i32
    %dma_start3A_6 = tpu.memref_slice %arg6[%dma_start3A_3, %dma_start3A_4, %dma_start3A_5] : memref<5x128x128xf32, #tpu.memory_space<vmem>> -> memref<1x128x128xf32, #tpu.memory_space<vmem>>
    %dma_start3A_7 = tpu.memref_squeeze %dma_start3A_6 : memref<1x128x128xf32, #tpu.memory_space<vmem>> -> memref<128x128xf32, #tpu.memory_space<vmem>>
    %dma_start3A_8 = arith.constant 0 : i32
    %dma_start3A_9 = tpu.memref_slice %arg5[%dma_start3A, %dma_start3A_8] : memref<200x128xi32, #tpu.memory_space<vmem>> -> memref<1x128xi32, #tpu.memory_space<vmem>>
    %dma_start3A_10 = tpu.memref_squeeze %dma_start3A_9 : memref<1x128xi32, #tpu.memory_space<vmem>> -> memref<128xi32, #tpu.memory_space<vmem>>
    %dma_start3A_11 = arith.constant 0 : i32
    %dma_start3A_12 = arith.constant 0 : i32
    %dma_start3A_13 = tpu.memref_slice %arg3[%dma_start3A_11, %dma_start3A_12] : memref<100000x128xf32, #tpu.memory_space<hbm>> -> memref<100000x128xf32, #tpu.memory_space<hbm>>
    tpu.enqueue_indirect_dma source(%dma_start3A_13 : memref<100000x128xf32, #tpu.memory_space<hbm>>) target(%dma_start3A_7 : memref<128x128xf32, #tpu.memory_space<vmem>>) offsets(%dma_start3A_10 : memref<128xi32, #tpu.memory_space<vmem>>) semaphore(%arg7 : memref<!tpu.dma_semaphore, #tpu.memory_space<semaphore_mem>>)
    %dma_start3A_14 = arith.constant 1 : i32
    %dma_start3A_15 = arith.constant 1 : i32
    %dma_start3A_16 = arith.constant 0 : i32
    %dma_start3A_17 = arith.constant 0 : i32
    %dma_start3A_18 = tpu.memref_slice %arg6[%dma_start3A_15, %dma_start3A_16, %dma_start3A_17] : memref<5x128x128xf32, #tpu.memory_space<vmem>> -> memref<1x128x128xf32, #tpu.memory_space<vmem>>
    %dma_start3A_19 = tpu.memref_squeeze %dma_start3A_18 : memref<1x128x128xf32, #tpu.memory_space<vmem>> -> memref<128x128xf32, #tpu.memory_space<vmem>>
    %dma_start3A_20 = arith.constant 0 : i32
    %dma_start3A_21 = tpu.memref_slice %arg5[%dma_start3A_14, %dma_start3A_20] : memref<200x128xi32, #tpu.memory_space<vmem>> -> memref<1x128xi32, #tpu.memory_space<vmem>>
    %dma_start3A_22 = tpu.memref_squeeze %dma_start3A_21 : memref<1x128xi32, #tpu.memory_space<vmem>> -> memref<128xi32, #tpu.memory_space<vmem>>
    %dma_start3A_23 = arith.constant 0 : i32
    %dma_start3A_24 = arith.constant 0 : i32
    %dma_start3A_25 = tpu.memref_slice %arg3[%dma_start3A_23, %dma_start3A_24] : memref<100000x128xf32, #tpu.memory_space<hbm>> -> memref<100000x128xf32, #tpu.memory_space<hbm>>
    tpu.enqueue_indirect_dma source(%dma_start3A_25 : memref<100000x128xf32, #tpu.memory_space<hbm>>) target(%dma_start3A_19 : memref<128x128xf32, #tpu.memory_space<vmem>>) offsets(%dma_start3A_22 : memref<128xi32, #tpu.memory_space<vmem>>) semaphore(%arg8 : memref<!tpu.dma_semaphore, #tpu.memory_space<semaphore_mem>>)
    %dma_start3A_26 = arith.constant 2 : i32
    %dma_start3A_27 = arith.constant 2 : i32
    %dma_start3A_28 = arith.constant 0 : i32
    %dma_start3A_29 = arith.constant 0 : i32
    %dma_start3A_30 = tpu.memref_slice %arg6[%dma_start3A_27, %dma_start3A_28, %dma_start3A_29] : memref<5x128x128xf32, #tpu.memory_space<vmem>> -> memref<1x128x128xf32, #tpu.memory_space<vmem>>
    %dma_start3A_31 = tpu.memref_squeeze %dma_start3A_30 : memref<1x128x128xf32, #tpu.memory_space<vmem>> -> memref<128x128xf32, #tpu.memory_space<vmem>>
    %dma_start3A_32 = arith.constant 0 : i32
    %dma_start3A_33 = tpu.memref_slice %arg5[%dma_start3A_26, %dma_start3A_32] : memref<200x128xi32, #tpu.memory_space<vmem>> -> memref<1x128xi32, #tpu.memory_space<vmem>>
    %dma_start3A_34 = tpu.memref_squeeze %dma_start3A_33 : memref<1x128xi32, #tpu.memory_space<vmem>> -> memref<128xi32, #tpu.memory_space<vmem>>
    %dma_start3A_35 = arith.constant 0 : i32
    %dma_start3A_36 = arith.constant 0 : i32
    %dma_start3A_37 = tpu.memref_slice %arg3[%dma_start3A_35, %dma_start3A_36] : memref<100000x128xf32, #tpu.memory_space<hbm>> -> memref<100000x128xf32, #tpu.memory_space<hbm>>
    tpu.enqueue_indirect_dma source(%dma_start3A_37 : memref<100000x128xf32, #tpu.memory_space<hbm>>) target(%dma_start3A_31 : memref<128x128xf32, #tpu.memory_space<vmem>>) offsets(%dma_start3A_34 : memref<128xi32, #tpu.memory_space<vmem>>) semaphore(%arg9 : memref<!tpu.dma_semaphore, #tpu.memory_space<semaphore_mem>>)
    %dma_start3A_38 = arith.constant 3 : i32
    %dma_start3A_39 = arith.constant 3 : i32
    %dma_start3A_40 = arith.constant 0 : i32
    %dma_start3A_41 = arith.constant 0 : i32
    %dma_start3A_42 = tpu.memref_slice %arg6[%dma_start3A_39, %dma_start3A_40, %dma_start3A_41] : memref<5x128x128xf32, #tpu.memory_space<vmem>> -> memref<1x128x128xf32, #tpu.memory_space<vmem>>
    %dma_start3A_43 = tpu.memref_squeeze %dma_start3A_42 : memref<1x128x128xf32, #tpu.memory_space<vmem>> -> memref<128x128xf32, #tpu.memory_space<vmem>>
    %dma_start3A_44 = arith.constant 0 : i32
    %dma_start3A_45 = tpu.memref_slice %arg5[%dma_start3A_38, %dma_start3A_44] : memref<200x128xi32, #tpu.memory_space<vmem>> -> memref<1x128xi32, #tpu.memory_space<vmem>>
    %dma_start3A_46 = tpu.memref_squeeze %dma_start3A_45 : memref<1x128xi32, #tpu.memory_space<vmem>> -> memref<128xi32, #tpu.memory_space<vmem>>
    %dma_start3A_47 = arith.constant 0 : i32
    %dma_start3A_48 = arith.constant 0 : i32
    %dma_start3A_49 = tpu.memref_slice %arg3[%dma_start3A_47, %dma_start3A_48] : memref<100000x128xf32, #tpu.memory_space<hbm>> -> memref<100000x128xf32, #tpu.memory_space<hbm>>
    tpu.enqueue_indirect_dma source(%dma_start3A_49 : memref<100000x128xf32, #tpu.memory_space<hbm>>) target(%dma_start3A_43 : memref<128x128xf32, #tpu.memory_space<vmem>>) offsets(%dma_start3A_46 : memref<128xi32, #tpu.memory_space<vmem>>) semaphore(%arg10 : memref<!tpu.dma_semaphore, #tpu.memory_space<semaphore_mem>>)
    %dma_start3A_50 = arith.constant 4 : i32
    %dma_start3A_51 = arith.constant 4 : i32
    %dma_start3A_52 = arith.constant 0 : i32
    %dma_start3A_53 = arith.constant 0 : i32
    %dma_start3A_54 = tpu.memref_slice %arg6[%dma_start3A_51, %dma_start3A_52, %dma_start3A_53] : memref<5x128x128xf32, #tpu.memory_space<vmem>> -> memref<1x128x128xf32, #tpu.memory_space<vmem>>
    %dma_start3A_55 = tpu.memref_squeeze %dma_start3A_54 : memref<1x128x128xf32, #tpu.memory_space<vmem>> -> memref<128x128xf32, #tpu.memory_space<vmem>>
    %dma_start3A_56 = arith.constant 0 : i32
    %dma_start3A_57 = tpu.memref_slice %arg5[%dma_start3A_50, %dma_start3A_56] : memref<200x128xi32, #tpu.memory_space<vmem>> -> memref<1x128xi32, #tpu.memory_space<vmem>>
    %dma_start3A_58 = tpu.memref_squeeze %dma_start3A_57 : memref<1x128xi32, #tpu.memory_space<vmem>> -> memref<128xi32, #tpu.memory_space<vmem>>
    %dma_start3A_59 = arith.constant 0 : i32
    %dma_start3A_60 = arith.constant 0 : i32
    %dma_start3A_61 = tpu.memref_slice %arg3[%dma_start3A_59, %dma_start3A_60] : memref<100000x128xf32, #tpu.memory_space<hbm>> -> memref<100000x128xf32, #tpu.memory_space<hbm>>
    tpu.enqueue_indirect_dma source(%dma_start3A_61 : memref<100000x128xf32, #tpu.memory_space<hbm>>) target(%dma_start3A_55 : memref<128x128xf32, #tpu.memory_space<vmem>>) offsets(%dma_start3A_58 : memref<128xi32, #tpu.memory_space<vmem>>) semaphore(%arg11 : memref<!tpu.dma_semaphore, #tpu.memory_space<semaphore_mem>>)
    %dma_wait3A = arith.constant 0 : i32
    %dma_wait3A_62 = arith.constant 0 : i32
    %dma_wait3A_63 = arith.constant 0 : i32
    %dma_wait3A_64 = arith.constant 0 : i32
    %dma_wait3A_65 = tpu.memref_slice %arg6[%dma_wait3A_62, %dma_wait3A_63, %dma_wait3A_64] : memref<5x128x128xf32, #tpu.memory_space<vmem>> -> memref<1x128x128xf32, #tpu.memory_space<vmem>>
    %dma_wait3A_66 = tpu.memref_squeeze %dma_wait3A_65 : memref<1x128x128xf32, #tpu.memory_space<vmem>> -> memref<128x128xf32, #tpu.memory_space<vmem>>
    %dma_wait3A_67 = arith.constant 0 : i32
    %dma_wait3A_68 = tpu.memref_slice %arg5[%dma_wait3A, %dma_wait3A_67] : memref<200x128xi32, #tpu.memory_space<vmem>> -> memref<1x128xi32, #tpu.memory_space<vmem>>
    %dma_wait3A_69 = tpu.memref_squeeze %dma_wait3A_68 : memref<1x128xi32, #tpu.memory_space<vmem>> -> memref<128xi32, #tpu.memory_space<vmem>>
    %dma_wait3A_70 = arith.constant 0 : i32
    %dma_wait3A_71 = arith.constant 0 : i32
    %dma_wait3A_72 = tpu.memref_slice %arg3[%dma_wait3A_70, %dma_wait3A_71] : memref<100000x128xf32, #tpu.memory_space<hbm>> -> memref<100000x128xf32, #tpu.memory_space<hbm>>
    tpu.wait_indirect_dma semaphore(%arg7 : memref<!tpu.dma_semaphore, #tpu.memory_space<semaphore_mem>>) src(%dma_wait3A_72 : memref<100000x128xf32, #tpu.memory_space<hbm>>) dst(%dma_wait3A_66 : memref<128x128xf32, #tpu.memory_space<vmem>>)
    %add3A_73 = arith.constant 0 : i32
    %add3A_74 = arith.addi %mul3A_2, %add3A_73 : i32
    %dma_start3A_75 = arith.constant 0 : i32
    %dma_start3A_76 = arith.constant 0 : i32
    %dma_start3A_77 = arith.constant 0 : i32
    %dma_start3A_78 = tpu.memref_slice %arg6[%dma_start3A_75, %dma_start3A_76, %dma_start3A_77] : memref<5x128x128xf32, #tpu.memory_space<vmem>> -> memref<1x128x128xf32, #tpu.memory_space<vmem>>
    %dma_start3A_79 = tpu.memref_squeeze %dma_start3A_78 : memref<1x128x128xf32, #tpu.memory_space<vmem>> -> memref<128x128xf32, #tpu.memory_space<vmem>>
    %dma_start3A_80 = arith.constant 0 : i32
    %dma_start3A_81 = arith.constant 0 : i32
    %dma_start3A_82 = tpu.memref_slice %arg4[%add3A_74, %dma_start3A_80, %dma_start3A_81] : memref<6400x128x128xf32, #tpu.memory_space<hbm>> -> memref<1x128x128xf32, #tpu.memory_space<hbm>>
    %dma_start3A_83 = tpu.memref_squeeze %dma_start3A_82 : memref<1x128x128xf32, #tpu.memory_space<hbm>> -> memref<128x128xf32, #tpu.memory_space<hbm>>
    %dma_start3A_84 = arith.constant 0 : i32
    %dma_start3A_85 = arith.constant 0 : i32
    %dma_start3A_86 = tpu.memref_slice %arg4[%add3A_74, %dma_start3A_84, %dma_start3A_85] : memref<6400x128x128xf32, #tpu.memory_space<hbm>> -> memref<1x128x128xf32, #tpu.memory_space<hbm>>
    %dma_start3A_87 = tpu.memref_squeeze %dma_start3A_86 : memref<1x128x128xf32, #tpu.memory_space<hbm>> -> memref<128x128xf32, #tpu.memory_space<hbm>>
    %dma_start3A_88 = arith.constant 0 : i32
    %dma_start3A_89 = arith.constant 0 : i32
    %dma_start3A_90 = tpu.memref_slice %arg6[%dma_start3A_75, %dma_start3A_88, %dma_start3A_89] : memref<5x128x128xf32, #tpu.memory_space<vmem>> -> memref<1x128x128xf32, #tpu.memory_space<vmem>>
    %dma_start3A_91 = tpu.memref_squeeze %dma_start3A_90 : memref<1x128x128xf32, #tpu.memory_space<vmem>> -> memref<128x128xf32, #tpu.memory_space<vmem>>
    tpu.enqueue_dma source(%dma_start3A_91 : memref<128x128xf32, #tpu.memory_space<vmem>>) target(%dma_start3A_87 : memref<128x128xf32, #tpu.memory_space<hbm>>) target_semaphore(%arg12 : memref<!tpu.dma_semaphore, #tpu.memory_space<semaphore_mem>>)
    %sub3A = arith.constant 196 : i32
    %sub3A_92 = arith.constant 1 : i32
    %sub3A_93 = arith.subi %sub3A, %sub3A_92 : i32
    %sub3A_94 = arith.constant 5 : i32
    %sub3A_95 = arith.constant 1 : i32
    %sub3A_96 = arith.subi %sub3A_94, %sub3A_95 : i32
    %add3A_97 = arith.addi %sub3A_93, %sub3A_96 : i32
    %div3A = arith.constant 5 : i32
    %div3A_98 = arith.divsi %add3A_97, %div3A : i32
    %while3A = arith.constant 5 : i32
    %while3A_99 = arith.constant 1 : i32
    %while3A_100 = arith.constant 0 : i32
    %while3A_101 = arith.subi %div3A_98, %while3A_100 : i32
    %while3A_102 = arith.addi %while3A_100, %while3A_101 : i32
    %while3A_103 = arith.constant 1 : i32
    %while3A_104 = arith.divsi %while3A_101, %while3A_103 : i32
    %while3A_105 = arith.muli %while3A_104, %while3A_103 : i32
    %while3A_106 = arith.addi %while3A_100, %while3A_105 : i32
    %while3A_107 = arith.constant 1 : i32
    scf.for %while3A_318 = %while3A_100 to %while3A_106 step %while3A_107  : i32 {
      %mul3A_319 = arith.muli %while3A_318, %while3A : i32
      %add3A_320 = arith.addi %while3A_99, %mul3A_319 : i32
      %add3A_321 = arith.constant 0 : i32
      %add3A_322 = arith.addi %add3A_320, %add3A_321 : i32
      %dma_wait3A_323 = arith.constant 0 : i32
      %dma_wait3A_324 = arith.constant 0 : i32
      %dma_wait3A_325 = arith.constant 0 : i32
      %dma_wait3A_326 = tpu.memref_slice %arg6[%dma_wait3A_323, %dma_wait3A_324, %dma_wait3A_325] : memref<5x128x128xf32, #tpu.memory_space<vmem>> -> memref<1x128x128xf32, #tpu.memory_space<vmem>>
      %dma_wait3A_327 = tpu.memref_squeeze %dma_wait3A_326 : memref<1x128x128xf32, #tpu.memory_space<vmem>> -> memref<128x128xf32, #tpu.memory_space<vmem>>
      %dma_wait3A_328 = arith.constant 0 : i32
      %dma_wait3A_329 = arith.constant 0 : i32
      %dma_wait3A_330 = tpu.memref_slice %arg4[%mul3A_2, %dma_wait3A_328, %dma_wait3A_329] : memref<6400x128x128xf32, #tpu.memory_space<hbm>> -> memref<1x128x128xf32, #tpu.memory_space<hbm>>
      %dma_wait3A_331 = tpu.memref_squeeze %dma_wait3A_330 : memref<1x128x128xf32, #tpu.memory_space<hbm>> -> memref<128x128xf32, #tpu.memory_space<hbm>>
      %dma_wait3A_332 = arith.constant 0 : i32
      %dma_wait3A_333 = arith.constant 0 : i32
      %dma_wait3A_334 = tpu.memref_slice %arg4[%mul3A_2, %dma_wait3A_332, %dma_wait3A_333] : memref<6400x128x128xf32, #tpu.memory_space<hbm>> -> memref<1x128x128xf32, #tpu.memory_space<hbm>>
      %dma_wait3A_335 = tpu.memref_squeeze %dma_wait3A_334 : memref<1x128x128xf32, #tpu.memory_space<hbm>> -> memref<128x128xf32, #tpu.memory_space<hbm>>
      %dma_wait3A_336 = arith.constant 0 : i32
      %dma_wait3A_337 = arith.constant 0 : i32
      %dma_wait3A_338 = tpu.memref_slice %arg6[%dma_wait3A_323, %dma_wait3A_336, %dma_wait3A_337] : memref<5x128x128xf32, #tpu.memory_space<vmem>> -> memref<1x128x128xf32, #tpu.memory_space<vmem>>
      %dma_wait3A_339 = tpu.memref_squeeze %dma_wait3A_338 : memref<1x128x128xf32, #tpu.memory_space<vmem>> -> memref<128x128xf32, #tpu.memory_space<vmem>>
      tpu.wait_dma2 semaphore(%arg12 : memref<!tpu.dma_semaphore, #tpu.memory_space<semaphore_mem>>) src(%dma_wait3A_339 : memref<128x128xf32, #tpu.memory_space<vmem>>) dst(%dma_wait3A_335 : memref<128x128xf32, #tpu.memory_space<hbm>>)
      %add3A_340 = arith.constant 4 : i32
      %add3A_341 = arith.addi %add3A_322, %add3A_340 : i32
      %dma_start3A_342 = arith.constant 0 : i32
      %dma_start3A_343 = arith.constant 0 : i32
      %dma_start3A_344 = arith.constant 0 : i32
      %dma_start3A_345 = tpu.memref_slice %arg6[%dma_start3A_342, %dma_start3A_343, %dma_start3A_344] : memref<5x128x128xf32, #tpu.memory_space<vmem>> -> memref<1x128x128xf32, #tpu.memory_space<vmem>>
      %dma_start3A_346 = tpu.memref_squeeze %dma_start3A_345 : memref<1x128x128xf32, #tpu.memory_space<vmem>> -> memref<128x128xf32, #tpu.memory_space<vmem>>
      %dma_start3A_347 = arith.constant 0 : i32
      %dma_start3A_348 = tpu.memref_slice %arg5[%add3A_341, %dma_start3A_347] : memref<200x128xi32, #tpu.memory_space<vmem>> -> memref<1x128xi32, #tpu.memory_space<vmem>>
      %dma_start3A_349 = tpu.memref_squeeze %dma_start3A_348 : memref<1x128xi32, #tpu.memory_space<vmem>> -> memref<128xi32, #tpu.memory_space<vmem>>
      %dma_start3A_350 = arith.constant 0 : i32
      %dma_start3A_351 = arith.constant 0 : i32
      %dma_start3A_352 = tpu.memref_slice %arg3[%dma_start3A_350, %dma_start3A_351] : memref<100000x128xf32, #tpu.memory_space<hbm>> -> memref<100000x128xf32, #tpu.memory_space<hbm>>
      tpu.enqueue_indirect_dma source(%dma_start3A_352 : memref<100000x128xf32, #tpu.memory_space<hbm>>) target(%dma_start3A_346 : memref<128x128xf32, #tpu.memory_space<vmem>>) offsets(%dma_start3A_349 : memref<128xi32, #tpu.memory_space<vmem>>) semaphore(%arg7 : memref<!tpu.dma_semaphore, #tpu.memory_space<semaphore_mem>>)
      %dma_wait3A_353 = arith.constant 0 : i32
      %dma_wait3A_354 = arith.constant 1 : i32
      %dma_wait3A_355 = arith.constant 0 : i32
      %dma_wait3A_356 = arith.constant 0 : i32
      %dma_wait3A_357 = tpu.memref_slice %arg6[%dma_wait3A_354, %dma_wait3A_355, %dma_wait3A_356] : memref<5x128x128xf32, #tpu.memory_space<vmem>> -> memref<1x128x128xf32, #tpu.memory_space<vmem>>
      %dma_wait3A_358 = tpu.memref_squeeze %dma_wait3A_357 : memref<1x128x128xf32, #tpu.memory_space<vmem>> -> memref<128x128xf32, #tpu.memory_space<vmem>>
      %dma_wait3A_359 = arith.constant 0 : i32
      %dma_wait3A_360 = tpu.memref_slice %arg5[%dma_wait3A_353, %dma_wait3A_359] : memref<200x128xi32, #tpu.memory_space<vmem>> -> memref<1x128xi32, #tpu.memory_space<vmem>>
      %dma_wait3A_361 = tpu.memref_squeeze %dma_wait3A_360 : memref<1x128xi32, #tpu.memory_space<vmem>> -> memref<128xi32, #tpu.memory_space<vmem>>
      %dma_wait3A_362 = arith.constant 0 : i32
      %dma_wait3A_363 = arith.constant 0 : i32
      %dma_wait3A_364 = tpu.memref_slice %arg3[%dma_wait3A_362, %dma_wait3A_363] : memref<100000x128xf32, #tpu.memory_space<hbm>> -> memref<100000x128xf32, #tpu.memory_space<hbm>>
      tpu.wait_indirect_dma semaphore(%arg8 : memref<!tpu.dma_semaphore, #tpu.memory_space<semaphore_mem>>) src(%dma_wait3A_364 : memref<100000x128xf32, #tpu.memory_space<hbm>>) dst(%dma_wait3A_358 : memref<128x128xf32, #tpu.memory_space<vmem>>)
      %add3A_365 = arith.addi %mul3A_2, %add3A_322 : i32
      %dma_start3A_366 = arith.constant 1 : i32
      %dma_start3A_367 = arith.constant 0 : i32
      %dma_start3A_368 = arith.constant 0 : i32
      %dma_start3A_369 = tpu.memref_slice %arg6[%dma_start3A_366, %dma_start3A_367, %dma_start3A_368] : memref<5x128x128xf32, #tpu.memory_space<vmem>> -> memref<1x128x128xf32, #tpu.memory_space<vmem>>
      %dma_start3A_370 = tpu.memref_squeeze %dma_start3A_369 : memref<1x128x128xf32, #tpu.memory_space<vmem>> -> memref<128x128xf32, #tpu.memory_space<vmem>>
      %dma_start3A_371 = arith.constant 0 : i32
      %dma_start3A_372 = arith.constant 0 : i32
      %dma_start3A_373 = tpu.memref_slice %arg4[%add3A_365, %dma_start3A_371, %dma_start3A_372] : memref<6400x128x128xf32, #tpu.memory_space<hbm>> -> memref<1x128x128xf32, #tpu.memory_space<hbm>>
      %dma_start3A_374 = tpu.memref_squeeze %dma_start3A_373 : memref<1x128x128xf32, #tpu.memory_space<hbm>> -> memref<128x128xf32, #tpu.memory_space<hbm>>
      %dma_start3A_375 = arith.constant 0 : i32
      %dma_start3A_376 = arith.constant 0 : i32
      %dma_start3A_377 = tpu.memref_slice %arg4[%add3A_365, %dma_start3A_375, %dma_start3A_376] : memref<6400x128x128xf32, #tpu.memory_space<hbm>> -> memref<1x128x128xf32, #tpu.memory_space<hbm>>
      %dma_start3A_378 = tpu.memref_squeeze %dma_start3A_377 : memref<1x128x128xf32, #tpu.memory_space<hbm>> -> memref<128x128xf32, #tpu.memory_space<hbm>>
      %dma_start3A_379 = arith.constant 0 : i32
      %dma_start3A_380 = arith.constant 0 : i32
      %dma_start3A_381 = tpu.memref_slice %arg6[%dma_start3A_366, %dma_start3A_379, %dma_start3A_380] : memref<5x128x128xf32, #tpu.memory_space<vmem>> -> memref<1x128x128xf32, #tpu.memory_space<vmem>>
      %dma_start3A_382 = tpu.memref_squeeze %dma_start3A_381 : memref<1x128x128xf32, #tpu.memory_space<vmem>> -> memref<128x128xf32, #tpu.memory_space<vmem>>
      tpu.enqueue_dma source(%dma_start3A_382 : memref<128x128xf32, #tpu.memory_space<vmem>>) target(%dma_start3A_378 : memref<128x128xf32, #tpu.memory_space<hbm>>) target_semaphore(%arg13 : memref<!tpu.dma_semaphore, #tpu.memory_space<semaphore_mem>>)
      %add3A_383 = arith.constant 1 : i32
      %add3A_384 = arith.addi %add3A_320, %add3A_383 : i32
      %dma_wait3A_385 = arith.constant 1 : i32
      %dma_wait3A_386 = arith.constant 0 : i32
      %dma_wait3A_387 = arith.constant 0 : i32
      %dma_wait3A_388 = tpu.memref_slice %arg6[%dma_wait3A_385, %dma_wait3A_386, %dma_wait3A_387] : memref<5x128x128xf32, #tpu.memory_space<vmem>> -> memref<1x128x128xf32, #tpu.memory_space<vmem>>
      %dma_wait3A_389 = tpu.memref_squeeze %dma_wait3A_388 : memref<1x128x128xf32, #tpu.memory_space<vmem>> -> memref<128x128xf32, #tpu.memory_space<vmem>>
      %dma_wait3A_390 = arith.constant 0 : i32
      %dma_wait3A_391 = arith.constant 0 : i32
      %dma_wait3A_392 = tpu.memref_slice %arg4[%mul3A_2, %dma_wait3A_390, %dma_wait3A_391] : memref<6400x128x128xf32, #tpu.memory_space<hbm>> -> memref<1x128x128xf32, #tpu.memory_space<hbm>>
      %dma_wait3A_393 = tpu.memref_squeeze %dma_wait3A_392 : memref<1x128x128xf32, #tpu.memory_space<hbm>> -> memref<128x128xf32, #tpu.memory_space<hbm>>
      %dma_wait3A_394 = arith.constant 0 : i32
      %dma_wait3A_395 = arith.constant 0 : i32
      %dma_wait3A_396 = tpu.memref_slice %arg4[%mul3A_2, %dma_wait3A_394, %dma_wait3A_395] : memref<6400x128x128xf32, #tpu.memory_space<hbm>> -> memref<1x128x128xf32, #tpu.memory_space<hbm>>
      %dma_wait3A_397 = tpu.memref_squeeze %dma_wait3A_396 : memref<1x128x128xf32, #tpu.memory_space<hbm>> -> memref<128x128xf32, #tpu.memory_space<hbm>>
      %dma_wait3A_398 = arith.constant 0 : i32
      %dma_wait3A_399 = arith.constant 0 : i32
      %dma_wait3A_400 = tpu.memref_slice %arg6[%dma_wait3A_385, %dma_wait3A_398, %dma_wait3A_399] : memref<5x128x128xf32, #tpu.memory_space<vmem>> -> memref<1x128x128xf32, #tpu.memory_space<vmem>>
      %dma_wait3A_401 = tpu.memref_squeeze %dma_wait3A_400 : memref<1x128x128xf32, #tpu.memory_space<vmem>> -> memref<128x128xf32, #tpu.memory_space<vmem>>
      tpu.wait_dma2 semaphore(%arg13 : memref<!tpu.dma_semaphore, #tpu.memory_space<semaphore_mem>>) src(%dma_wait3A_401 : memref<128x128xf32, #tpu.memory_space<vmem>>) dst(%dma_wait3A_397 : memref<128x128xf32, #tpu.memory_space<hbm>>)
      %add3A_402 = arith.constant 4 : i32
      %add3A_403 = arith.addi %add3A_384, %add3A_402 : i32
      %dma_start3A_404 = arith.constant 1 : i32
      %dma_start3A_405 = arith.constant 0 : i32
      %dma_start3A_406 = arith.constant 0 : i32
      %dma_start3A_407 = tpu.memref_slice %arg6[%dma_start3A_404, %dma_start3A_405, %dma_start3A_406] : memref<5x128x128xf32, #tpu.memory_space<vmem>> -> memref<1x128x128xf32, #tpu.memory_space<vmem>>
      %dma_start3A_408 = tpu.memref_squeeze %dma_start3A_407 : memref<1x128x128xf32, #tpu.memory_space<vmem>> -> memref<128x128xf32, #tpu.memory_space<vmem>>
      %dma_start3A_409 = arith.constant 0 : i32
      %dma_start3A_410 = tpu.memref_slice %arg5[%add3A_403, %dma_start3A_409] : memref<200x128xi32, #tpu.memory_space<vmem>> -> memref<1x128xi32, #tpu.memory_space<vmem>>
      %dma_start3A_411 = tpu.memref_squeeze %dma_start3A_410 : memref<1x128xi32, #tpu.memory_space<vmem>> -> memref<128xi32, #tpu.memory_space<vmem>>
      %dma_start3A_412 = arith.constant 0 : i32
      %dma_start3A_413 = arith.constant 0 : i32
      %dma_start3A_414 = tpu.memref_slice %arg3[%dma_start3A_412, %dma_start3A_413] : memref<100000x128xf32, #tpu.memory_space<hbm>> -> memref<100000x128xf32, #tpu.memory_space<hbm>>
      tpu.enqueue_indirect_dma source(%dma_start3A_414 : memref<100000x128xf32, #tpu.memory_space<hbm>>) target(%dma_start3A_408 : memref<128x128xf32, #tpu.memory_space<vmem>>) offsets(%dma_start3A_411 : memref<128xi32, #tpu.memory_space<vmem>>) semaphore(%arg8 : memref<!tpu.dma_semaphore, #tpu.memory_space<semaphore_mem>>)
      %dma_wait3A_415 = arith.constant 0 : i32
      %dma_wait3A_416 = arith.constant 2 : i32
      %dma_wait3A_417 = arith.constant 0 : i32
      %dma_wait3A_418 = arith.constant 0 : i32
      %dma_wait3A_419 = tpu.memref_slice %arg6[%dma_wait3A_416, %dma_wait3A_417, %dma_wait3A_418] : memref<5x128x128xf32, #tpu.memory_space<vmem>> -> memref<1x128x128xf32, #tpu.memory_space<vmem>>
      %dma_wait3A_420 = tpu.memref_squeeze %dma_wait3A_419 : memref<1x128x128xf32, #tpu.memory_space<vmem>> -> memref<128x128xf32, #tpu.memory_space<vmem>>
      %dma_wait3A_421 = arith.constant 0 : i32
      %dma_wait3A_422 = tpu.memref_slice %arg5[%dma_wait3A_415, %dma_wait3A_421] : memref<200x128xi32, #tpu.memory_space<vmem>> -> memref<1x128xi32, #tpu.memory_space<vmem>>
      %dma_wait3A_423 = tpu.memref_squeeze %dma_wait3A_422 : memref<1x128xi32, #tpu.memory_space<vmem>> -> memref<128xi32, #tpu.memory_space<vmem>>
      %dma_wait3A_424 = arith.constant 0 : i32
      %dma_wait3A_425 = arith.constant 0 : i32
      %dma_wait3A_426 = tpu.memref_slice %arg3[%dma_wait3A_424, %dma_wait3A_425] : memref<100000x128xf32, #tpu.memory_space<hbm>> -> memref<100000x128xf32, #tpu.memory_space<hbm>>
      tpu.wait_indirect_dma semaphore(%arg9 : memref<!tpu.dma_semaphore, #tpu.memory_space<semaphore_mem>>) src(%dma_wait3A_426 : memref<100000x128xf32, #tpu.memory_space<hbm>>) dst(%dma_wait3A_420 : memref<128x128xf32, #tpu.memory_space<vmem>>)
      %add3A_427 = arith.addi %mul3A_2, %add3A_384 : i32
      %dma_start3A_428 = arith.constant 2 : i32
      %dma_start3A_429 = arith.constant 0 : i32
      %dma_start3A_430 = arith.constant 0 : i32
      %dma_start3A_431 = tpu.memref_slice %arg6[%dma_start3A_428, %dma_start3A_429, %dma_start3A_430] : memref<5x128x128xf32, #tpu.memory_space<vmem>> -> memref<1x128x128xf32, #tpu.memory_space<vmem>>
      %dma_start3A_432 = tpu.memref_squeeze %dma_start3A_431 : memref<1x128x128xf32, #tpu.memory_space<vmem>> -> memref<128x128xf32, #tpu.memory_space<vmem>>
      %dma_start3A_433 = arith.constant 0 : i32
      %dma_start3A_434 = arith.constant 0 : i32
      %dma_start3A_435 = tpu.memref_slice %arg4[%add3A_427, %dma_start3A_433, %dma_start3A_434] : memref<6400x128x128xf32, #tpu.memory_space<hbm>> -> memref<1x128x128xf32, #tpu.memory_space<hbm>>
      %dma_start3A_436 = tpu.memref_squeeze %dma_start3A_435 : memref<1x128x128xf32, #tpu.memory_space<hbm>> -> memref<128x128xf32, #tpu.memory_space<hbm>>
      %dma_start3A_437 = arith.constant 0 : i32
      %dma_start3A_438 = arith.constant 0 : i32
      %dma_start3A_439 = tpu.memref_slice %arg4[%add3A_427, %dma_start3A_437, %dma_start3A_438] : memref<6400x128x128xf32, #tpu.memory_space<hbm>> -> memref<1x128x128xf32, #tpu.memory_space<hbm>>
      %dma_start3A_440 = tpu.memref_squeeze %dma_start3A_439 : memref<1x128x128xf32, #tpu.memory_space<hbm>> -> memref<128x128xf32, #tpu.memory_space<hbm>>
      %dma_start3A_441 = arith.constant 0 : i32
      %dma_start3A_442 = arith.constant 0 : i32
      %dma_start3A_443 = tpu.memref_slice %arg6[%dma_start3A_428, %dma_start3A_441, %dma_start3A_442] : memref<5x128x128xf32, #tpu.memory_space<vmem>> -> memref<1x128x128xf32, #tpu.memory_space<vmem>>
      %dma_start3A_444 = tpu.memref_squeeze %dma_start3A_443 : memref<1x128x128xf32, #tpu.memory_space<vmem>> -> memref<128x128xf32, #tpu.memory_space<vmem>>
      tpu.enqueue_dma source(%dma_start3A_444 : memref<128x128xf32, #tpu.memory_space<vmem>>) target(%dma_start3A_440 : memref<128x128xf32, #tpu.memory_space<hbm>>) target_semaphore(%arg14 : memref<!tpu.dma_semaphore, #tpu.memory_space<semaphore_mem>>)
      %add3A_445 = arith.constant 2 : i32
      %add3A_446 = arith.addi %add3A_320, %add3A_445 : i32
      %dma_wait3A_447 = arith.constant 2 : i32
      %dma_wait3A_448 = arith.constant 0 : i32
      %dma_wait3A_449 = arith.constant 0 : i32
      %dma_wait3A_450 = tpu.memref_slice %arg6[%dma_wait3A_447, %dma_wait3A_448, %dma_wait3A_449] : memref<5x128x128xf32, #tpu.memory_space<vmem>> -> memref<1x128x128xf32, #tpu.memory_space<vmem>>
      %dma_wait3A_451 = tpu.memref_squeeze %dma_wait3A_450 : memref<1x128x128xf32, #tpu.memory_space<vmem>> -> memref<128x128xf32, #tpu.memory_space<vmem>>
      %dma_wait3A_452 = arith.constant 0 : i32
      %dma_wait3A_453 = arith.constant 0 : i32
      %dma_wait3A_454 = tpu.memref_slice %arg4[%mul3A_2, %dma_wait3A_452, %dma_wait3A_453] : memref<6400x128x128xf32, #tpu.memory_space<hbm>> -> memref<1x128x128xf32, #tpu.memory_space<hbm>>
      %dma_wait3A_455 = tpu.memref_squeeze %dma_wait3A_454 : memref<1x128x128xf32, #tpu.memory_space<hbm>> -> memref<128x128xf32, #tpu.memory_space<hbm>>
      %dma_wait3A_456 = arith.constant 0 : i32
      %dma_wait3A_457 = arith.constant 0 : i32
      %dma_wait3A_458 = tpu.memref_slice %arg4[%mul3A_2, %dma_wait3A_456, %dma_wait3A_457] : memref<6400x128x128xf32, #tpu.memory_space<hbm>> -> memref<1x128x128xf32, #tpu.memory_space<hbm>>
      %dma_wait3A_459 = tpu.memref_squeeze %dma_wait3A_458 : memref<1x128x128xf32, #tpu.memory_space<hbm>> -> memref<128x128xf32, #tpu.memory_space<hbm>>
      %dma_wait3A_460 = arith.constant 0 : i32
      %dma_wait3A_461 = arith.constant 0 : i32
      %dma_wait3A_462 = tpu.memref_slice %arg6[%dma_wait3A_447, %dma_wait3A_460, %dma_wait3A_461] : memref<5x128x128xf32, #tpu.memory_space<vmem>> -> memref<1x128x128xf32, #tpu.memory_space<vmem>>
      %dma_wait3A_463 = tpu.memref_squeeze %dma_wait3A_462 : memref<1x128x128xf32, #tpu.memory_space<vmem>> -> memref<128x128xf32, #tpu.memory_space<vmem>>
      tpu.wait_dma2 semaphore(%arg14 : memref<!tpu.dma_semaphore, #tpu.memory_space<semaphore_mem>>) src(%dma_wait3A_463 : memref<128x128xf32, #tpu.memory_space<vmem>>) dst(%dma_wait3A_459 : memref<128x128xf32, #tpu.memory_space<hbm>>)
      %add3A_464 = arith.constant 4 : i32
      %add3A_465 = arith.addi %add3A_446, %add3A_464 : i32
      %dma_start3A_466 = arith.constant 2 : i32
      %dma_start3A_467 = arith.constant 0 : i32
      %dma_start3A_468 = arith.constant 0 : i32
      %dma_start3A_469 = tpu.memref_slice %arg6[%dma_start3A_466, %dma_start3A_467, %dma_start3A_468] : memref<5x128x128xf32, #tpu.memory_space<vmem>> -> memref<1x128x128xf32, #tpu.memory_space<vmem>>
      %dma_start3A_470 = tpu.memref_squeeze %dma_start3A_469 : memref<1x128x128xf32, #tpu.memory_space<vmem>> -> memref<128x128xf32, #tpu.memory_space<vmem>>
      %dma_start3A_471 = arith.constant 0 : i32
      %dma_start3A_472 = tpu.memref_slice %arg5[%add3A_465, %dma_start3A_471] : memref<200x128xi32, #tpu.memory_space<vmem>> -> memref<1x128xi32, #tpu.memory_space<vmem>>
      %dma_start3A_473 = tpu.memref_squeeze %dma_start3A_472 : memref<1x128xi32, #tpu.memory_space<vmem>> -> memref<128xi32, #tpu.memory_space<vmem>>
      %dma_start3A_474 = arith.constant 0 : i32
      %dma_start3A_475 = arith.constant 0 : i32
      %dma_start3A_476 = tpu.memref_slice %arg3[%dma_start3A_474, %dma_start3A_475] : memref<100000x128xf32, #tpu.memory_space<hbm>> -> memref<100000x128xf32, #tpu.memory_space<hbm>>
      tpu.enqueue_indirect_dma source(%dma_start3A_476 : memref<100000x128xf32, #tpu.memory_space<hbm>>) target(%dma_start3A_470 : memref<128x128xf32, #tpu.memory_space<vmem>>) offsets(%dma_start3A_473 : memref<128xi32, #tpu.memory_space<vmem>>) semaphore(%arg9 : memref<!tpu.dma_semaphore, #tpu.memory_space<semaphore_mem>>)
      %dma_wait3A_477 = arith.constant 0 : i32
      %dma_wait3A_478 = arith.constant 3 : i32
      %dma_wait3A_479 = arith.constant 0 : i32
      %dma_wait3A_480 = arith.constant 0 : i32
      %dma_wait3A_481 = tpu.memref_slice %arg6[%dma_wait3A_478, %dma_wait3A_479, %dma_wait3A_480] : memref<5x128x128xf32, #tpu.memory_space<vmem>> -> memref<1x128x128xf32, #tpu.memory_space<vmem>>
      %dma_wait3A_482 = tpu.memref_squeeze %dma_wait3A_481 : memref<1x128x128xf32, #tpu.memory_space<vmem>> -> memref<128x128xf32, #tpu.memory_space<vmem>>
      %dma_wait3A_483 = arith.constant 0 : i32
      %dma_wait3A_484 = tpu.memref_slice %arg5[%dma_wait3A_477, %dma_wait3A_483] : memref<200x128xi32, #tpu.memory_space<vmem>> -> memref<1x128xi32, #tpu.memory_space<vmem>>
      %dma_wait3A_485 = tpu.memref_squeeze %dma_wait3A_484 : memref<1x128xi32, #tpu.memory_space<vmem>> -> memref<128xi32, #tpu.memory_space<vmem>>
      %dma_wait3A_486 = arith.constant 0 : i32
      %dma_wait3A_487 = arith.constant 0 : i32
      %dma_wait3A_488 = tpu.memref_slice %arg3[%dma_wait3A_486, %dma_wait3A_487] : memref<100000x128xf32, #tpu.memory_space<hbm>> -> memref<100000x128xf32, #tpu.memory_space<hbm>>
      tpu.wait_indirect_dma semaphore(%arg10 : memref<!tpu.dma_semaphore, #tpu.memory_space<semaphore_mem>>) src(%dma_wait3A_488 : memref<100000x128xf32, #tpu.memory_space<hbm>>) dst(%dma_wait3A_482 : memref<128x128xf32, #tpu.memory_space<vmem>>)
      %add3A_489 = arith.addi %mul3A_2, %add3A_446 : i32
      %dma_start3A_490 = arith.constant 3 : i32
      %dma_start3A_491 = arith.constant 0 : i32
      %dma_start3A_492 = arith.constant 0 : i32
      %dma_start3A_493 = tpu.memref_slice %arg6[%dma_start3A_490, %dma_start3A_491, %dma_start3A_492] : memref<5x128x128xf32, #tpu.memory_space<vmem>> -> memref<1x128x128xf32, #tpu.memory_space<vmem>>
      %dma_start3A_494 = tpu.memref_squeeze %dma_start3A_493 : memref<1x128x128xf32, #tpu.memory_space<vmem>> -> memref<128x128xf32, #tpu.memory_space<vmem>>
      %dma_start3A_495 = arith.constant 0 : i32
      %dma_start3A_496 = arith.constant 0 : i32
      %dma_start3A_497 = tpu.memref_slice %arg4[%add3A_489, %dma_start3A_495, %dma_start3A_496] : memref<6400x128x128xf32, #tpu.memory_space<hbm>> -> memref<1x128x128xf32, #tpu.memory_space<hbm>>
      %dma_start3A_498 = tpu.memref_squeeze %dma_start3A_497 : memref<1x128x128xf32, #tpu.memory_space<hbm>> -> memref<128x128xf32, #tpu.memory_space<hbm>>
      %dma_start3A_499 = arith.constant 0 : i32
      %dma_start3A_500 = arith.constant 0 : i32
      %dma_start3A_501 = tpu.memref_slice %arg4[%add3A_489, %dma_start3A_499, %dma_start3A_500] : memref<6400x128x128xf32, #tpu.memory_space<hbm>> -> memref<1x128x128xf32, #tpu.memory_space<hbm>>
      %dma_start3A_502 = tpu.memref_squeeze %dma_start3A_501 : memref<1x128x128xf32, #tpu.memory_space<hbm>> -> memref<128x128xf32, #tpu.memory_space<hbm>>
      %dma_start3A_503 = arith.constant 0 : i32
      %dma_start3A_504 = arith.constant 0 : i32
      %dma_start3A_505 = tpu.memref_slice %arg6[%dma_start3A_490, %dma_start3A_503, %dma_start3A_504] : memref<5x128x128xf32, #tpu.memory_space<vmem>> -> memref<1x128x128xf32, #tpu.memory_space<vmem>>
      %dma_start3A_506 = tpu.memref_squeeze %dma_start3A_505 : memref<1x128x128xf32, #tpu.memory_space<vmem>> -> memref<128x128xf32, #tpu.memory_space<vmem>>
      tpu.enqueue_dma source(%dma_start3A_506 : memref<128x128xf32, #tpu.memory_space<vmem>>) target(%dma_start3A_502 : memref<128x128xf32, #tpu.memory_space<hbm>>) target_semaphore(%arg15 : memref<!tpu.dma_semaphore, #tpu.memory_space<semaphore_mem>>)
      %add3A_507 = arith.constant 3 : i32
      %add3A_508 = arith.addi %add3A_320, %add3A_507 : i32
      %dma_wait3A_509 = arith.constant 3 : i32
      %dma_wait3A_510 = arith.constant 0 : i32
      %dma_wait3A_511 = arith.constant 0 : i32
      %dma_wait3A_512 = tpu.memref_slice %arg6[%dma_wait3A_509, %dma_wait3A_510, %dma_wait3A_511] : memref<5x128x128xf32, #tpu.memory_space<vmem>> -> memref<1x128x128xf32, #tpu.memory_space<vmem>>
      %dma_wait3A_513 = tpu.memref_squeeze %dma_wait3A_512 : memref<1x128x128xf32, #tpu.memory_space<vmem>> -> memref<128x128xf32, #tpu.memory_space<vmem>>
      %dma_wait3A_514 = arith.constant 0 : i32
      %dma_wait3A_515 = arith.constant 0 : i32
      %dma_wait3A_516 = tpu.memref_slice %arg4[%mul3A_2, %dma_wait3A_514, %dma_wait3A_515] : memref<6400x128x128xf32, #tpu.memory_space<hbm>> -> memref<1x128x128xf32, #tpu.memory_space<hbm>>
      %dma_wait3A_517 = tpu.memref_squeeze %dma_wait3A_516 : memref<1x128x128xf32, #tpu.memory_space<hbm>> -> memref<128x128xf32, #tpu.memory_space<hbm>>
      %dma_wait3A_518 = arith.constant 0 : i32
      %dma_wait3A_519 = arith.constant 0 : i32
      %dma_wait3A_520 = tpu.memref_slice %arg4[%mul3A_2, %dma_wait3A_518, %dma_wait3A_519] : memref<6400x128x128xf32, #tpu.memory_space<hbm>> -> memref<1x128x128xf32, #tpu.memory_space<hbm>>
      %dma_wait3A_521 = tpu.memref_squeeze %dma_wait3A_520 : memref<1x128x128xf32, #tpu.memory_space<hbm>> -> memref<128x128xf32, #tpu.memory_space<hbm>>
      %dma_wait3A_522 = arith.constant 0 : i32
      %dma_wait3A_523 = arith.constant 0 : i32
      %dma_wait3A_524 = tpu.memref_slice %arg6[%dma_wait3A_509, %dma_wait3A_522, %dma_wait3A_523] : memref<5x128x128xf32, #tpu.memory_space<vmem>> -> memref<1x128x128xf32, #tpu.memory_space<vmem>>
      %dma_wait3A_525 = tpu.memref_squeeze %dma_wait3A_524 : memref<1x128x128xf32, #tpu.memory_space<vmem>> -> memref<128x128xf32, #tpu.memory_space<vmem>>
      tpu.wait_dma2 semaphore(%arg15 : memref<!tpu.dma_semaphore, #tpu.memory_space<semaphore_mem>>) src(%dma_wait3A_525 : memref<128x128xf32, #tpu.memory_space<vmem>>) dst(%dma_wait3A_521 : memref<128x128xf32, #tpu.memory_space<hbm>>)
      %add3A_526 = arith.constant 4 : i32
      %add3A_527 = arith.addi %add3A_508, %add3A_526 : i32
      %dma_start3A_528 = arith.constant 3 : i32
      %dma_start3A_529 = arith.constant 0 : i32
      %dma_start3A_530 = arith.constant 0 : i32
      %dma_start3A_531 = tpu.memref_slice %arg6[%dma_start3A_528, %dma_start3A_529, %dma_start3A_530] : memref<5x128x128xf32, #tpu.memory_space<vmem>> -> memref<1x128x128xf32, #tpu.memory_space<vmem>>
      %dma_start3A_532 = tpu.memref_squeeze %dma_start3A_531 : memref<1x128x128xf32, #tpu.memory_space<vmem>> -> memref<128x128xf32, #tpu.memory_space<vmem>>
      %dma_start3A_533 = arith.constant 0 : i32
      %dma_start3A_534 = tpu.memref_slice %arg5[%add3A_527, %dma_start3A_533] : memref<200x128xi32, #tpu.memory_space<vmem>> -> memref<1x128xi32, #tpu.memory_space<vmem>>
      %dma_start3A_535 = tpu.memref_squeeze %dma_start3A_534 : memref<1x128xi32, #tpu.memory_space<vmem>> -> memref<128xi32, #tpu.memory_space<vmem>>
      %dma_start3A_536 = arith.constant 0 : i32
      %dma_start3A_537 = arith.constant 0 : i32
      %dma_start3A_538 = tpu.memref_slice %arg3[%dma_start3A_536, %dma_start3A_537] : memref<100000x128xf32, #tpu.memory_space<hbm>> -> memref<100000x128xf32, #tpu.memory_space<hbm>>
      tpu.enqueue_indirect_dma source(%dma_start3A_538 : memref<100000x128xf32, #tpu.memory_space<hbm>>) target(%dma_start3A_532 : memref<128x128xf32, #tpu.memory_space<vmem>>) offsets(%dma_start3A_535 : memref<128xi32, #tpu.memory_space<vmem>>) semaphore(%arg10 : memref<!tpu.dma_semaphore, #tpu.memory_space<semaphore_mem>>)
      %dma_wait3A_539 = arith.constant 0 : i32
      %dma_wait3A_540 = arith.constant 4 : i32
      %dma_wait3A_541 = arith.constant 0 : i32
      %dma_wait3A_542 = arith.constant 0 : i32
      %dma_wait3A_543 = tpu.memref_slice %arg6[%dma_wait3A_540, %dma_wait3A_541, %dma_wait3A_542] : memref<5x128x128xf32, #tpu.memory_space<vmem>> -> memref<1x128x128xf32, #tpu.memory_space<vmem>>
      %dma_wait3A_544 = tpu.memref_squeeze %dma_wait3A_543 : memref<1x128x128xf32, #tpu.memory_space<vmem>> -> memref<128x128xf32, #tpu.memory_space<vmem>>
      %dma_wait3A_545 = arith.constant 0 : i32
      %dma_wait3A_546 = tpu.memref_slice %arg5[%dma_wait3A_539, %dma_wait3A_545] : memref<200x128xi32, #tpu.memory_space<vmem>> -> memref<1x128xi32, #tpu.memory_space<vmem>>
      %dma_wait3A_547 = tpu.memref_squeeze %dma_wait3A_546 : memref<1x128xi32, #tpu.memory_space<vmem>> -> memref<128xi32, #tpu.memory_space<vmem>>
      %dma_wait3A_548 = arith.constant 0 : i32
      %dma_wait3A_549 = arith.constant 0 : i32
      %dma_wait3A_550 = tpu.memref_slice %arg3[%dma_wait3A_548, %dma_wait3A_549] : memref<100000x128xf32, #tpu.memory_space<hbm>> -> memref<100000x128xf32, #tpu.memory_space<hbm>>
      tpu.wait_indirect_dma semaphore(%arg11 : memref<!tpu.dma_semaphore, #tpu.memory_space<semaphore_mem>>) src(%dma_wait3A_550 : memref<100000x128xf32, #tpu.memory_space<hbm>>) dst(%dma_wait3A_544 : memref<128x128xf32, #tpu.memory_space<vmem>>)
      %add3A_551 = arith.addi %mul3A_2, %add3A_508 : i32
      %dma_start3A_552 = arith.constant 4 : i32
      %dma_start3A_553 = arith.constant 0 : i32
      %dma_start3A_554 = arith.constant 0 : i32
      %dma_start3A_555 = tpu.memref_slice %arg6[%dma_start3A_552, %dma_start3A_553, %dma_start3A_554] : memref<5x128x128xf32, #tpu.memory_space<vmem>> -> memref<1x128x128xf32, #tpu.memory_space<vmem>>
      %dma_start3A_556 = tpu.memref_squeeze %dma_start3A_555 : memref<1x128x128xf32, #tpu.memory_space<vmem>> -> memref<128x128xf32, #tpu.memory_space<vmem>>
      %dma_start3A_557 = arith.constant 0 : i32
      %dma_start3A_558 = arith.constant 0 : i32
      %dma_start3A_559 = tpu.memref_slice %arg4[%add3A_551, %dma_start3A_557, %dma_start3A_558] : memref<6400x128x128xf32, #tpu.memory_space<hbm>> -> memref<1x128x128xf32, #tpu.memory_space<hbm>>
      %dma_start3A_560 = tpu.memref_squeeze %dma_start3A_559 : memref<1x128x128xf32, #tpu.memory_space<hbm>> -> memref<128x128xf32, #tpu.memory_space<hbm>>
      %dma_start3A_561 = arith.constant 0 : i32
      %dma_start3A_562 = arith.constant 0 : i32
      %dma_start3A_563 = tpu.memref_slice %arg4[%add3A_551, %dma_start3A_561, %dma_start3A_562] : memref<6400x128x128xf32, #tpu.memory_space<hbm>> -> memref<1x128x128xf32, #tpu.memory_space<hbm>>
      %dma_start3A_564 = tpu.memref_squeeze %dma_start3A_563 : memref<1x128x128xf32, #tpu.memory_space<hbm>> -> memref<128x128xf32, #tpu.memory_space<hbm>>
      %dma_start3A_565 = arith.constant 0 : i32
      %dma_start3A_566 = arith.constant 0 : i32
      %dma_start3A_567 = tpu.memref_slice %arg6[%dma_start3A_552, %dma_start3A_565, %dma_start3A_566] : memref<5x128x128xf32, #tpu.memory_space<vmem>> -> memref<1x128x128xf32, #tpu.memory_space<vmem>>
      %dma_start3A_568 = tpu.memref_squeeze %dma_start3A_567 : memref<1x128x128xf32, #tpu.memory_space<vmem>> -> memref<128x128xf32, #tpu.memory_space<vmem>>
      tpu.enqueue_dma source(%dma_start3A_568 : memref<128x128xf32, #tpu.memory_space<vmem>>) target(%dma_start3A_564 : memref<128x128xf32, #tpu.memory_space<hbm>>) target_semaphore(%arg16 : memref<!tpu.dma_semaphore, #tpu.memory_space<semaphore_mem>>)
      %add3A_569 = arith.constant 4 : i32
      %add3A_570 = arith.addi %add3A_320, %add3A_569 : i32
      %dma_wait3A_571 = arith.constant 4 : i32
      %dma_wait3A_572 = arith.constant 0 : i32
      %dma_wait3A_573 = arith.constant 0 : i32
      %dma_wait3A_574 = tpu.memref_slice %arg6[%dma_wait3A_571, %dma_wait3A_572, %dma_wait3A_573] : memref<5x128x128xf32, #tpu.memory_space<vmem>> -> memref<1x128x128xf32, #tpu.memory_space<vmem>>
      %dma_wait3A_575 = tpu.memref_squeeze %dma_wait3A_574 : memref<1x128x128xf32, #tpu.memory_space<vmem>> -> memref<128x128xf32, #tpu.memory_space<vmem>>
      %dma_wait3A_576 = arith.constant 0 : i32
      %dma_wait3A_577 = arith.constant 0 : i32
      %dma_wait3A_578 = tpu.memref_slice %arg4[%mul3A_2, %dma_wait3A_576, %dma_wait3A_577] : memref<6400x128x128xf32, #tpu.memory_space<hbm>> -> memref<1x128x128xf32, #tpu.memory_space<hbm>>
      %dma_wait3A_579 = tpu.memref_squeeze %dma_wait3A_578 : memref<1x128x128xf32, #tpu.memory_space<hbm>> -> memref<128x128xf32, #tpu.memory_space<hbm>>
      %dma_wait3A_580 = arith.constant 0 : i32
      %dma_wait3A_581 = arith.constant 0 : i32
      %dma_wait3A_582 = tpu.memref_slice %arg4[%mul3A_2, %dma_wait3A_580, %dma_wait3A_581] : memref<6400x128x128xf32, #tpu.memory_space<hbm>> -> memref<1x128x128xf32, #tpu.memory_space<hbm>>
      %dma_wait3A_583 = tpu.memref_squeeze %dma_wait3A_582 : memref<1x128x128xf32, #tpu.memory_space<hbm>> -> memref<128x128xf32, #tpu.memory_space<hbm>>
      %dma_wait3A_584 = arith.constant 0 : i32
      %dma_wait3A_585 = arith.constant 0 : i32
      %dma_wait3A_586 = tpu.memref_slice %arg6[%dma_wait3A_571, %dma_wait3A_584, %dma_wait3A_585] : memref<5x128x128xf32, #tpu.memory_space<vmem>> -> memref<1x128x128xf32, #tpu.memory_space<vmem>>
      %dma_wait3A_587 = tpu.memref_squeeze %dma_wait3A_586 : memref<1x128x128xf32, #tpu.memory_space<vmem>> -> memref<128x128xf32, #tpu.memory_space<vmem>>
      tpu.wait_dma2 semaphore(%arg16 : memref<!tpu.dma_semaphore, #tpu.memory_space<semaphore_mem>>) src(%dma_wait3A_587 : memref<128x128xf32, #tpu.memory_space<vmem>>) dst(%dma_wait3A_583 : memref<128x128xf32, #tpu.memory_space<hbm>>)
      %add3A_588 = arith.constant 4 : i32
      %add3A_589 = arith.addi %add3A_570, %add3A_588 : i32
      %dma_start3A_590 = arith.constant 4 : i32
      %dma_start3A_591 = arith.constant 0 : i32
      %dma_start3A_592 = arith.constant 0 : i32
      %dma_start3A_593 = tpu.memref_slice %arg6[%dma_start3A_590, %dma_start3A_591, %dma_start3A_592] : memref<5x128x128xf32, #tpu.memory_space<vmem>> -> memref<1x128x128xf32, #tpu.memory_space<vmem>>
      %dma_start3A_594 = tpu.memref_squeeze %dma_start3A_593 : memref<1x128x128xf32, #tpu.memory_space<vmem>> -> memref<128x128xf32, #tpu.memory_space<vmem>>
      %dma_start3A_595 = arith.constant 0 : i32
      %dma_start3A_596 = tpu.memref_slice %arg5[%add3A_589, %dma_start3A_595] : memref<200x128xi32, #tpu.memory_space<vmem>> -> memref<1x128xi32, #tpu.memory_space<vmem>>
      %dma_start3A_597 = tpu.memref_squeeze %dma_start3A_596 : memref<1x128xi32, #tpu.memory_space<vmem>> -> memref<128xi32, #tpu.memory_space<vmem>>
      %dma_start3A_598 = arith.constant 0 : i32
      %dma_start3A_599 = arith.constant 0 : i32
      %dma_start3A_600 = tpu.memref_slice %arg3[%dma_start3A_598, %dma_start3A_599] : memref<100000x128xf32, #tpu.memory_space<hbm>> -> memref<100000x128xf32, #tpu.memory_space<hbm>>
      tpu.enqueue_indirect_dma source(%dma_start3A_600 : memref<100000x128xf32, #tpu.memory_space<hbm>>) target(%dma_start3A_594 : memref<128x128xf32, #tpu.memory_space<vmem>>) offsets(%dma_start3A_597 : memref<128xi32, #tpu.memory_space<vmem>>) semaphore(%arg11 : memref<!tpu.dma_semaphore, #tpu.memory_space<semaphore_mem>>)
      %dma_wait3A_601 = arith.constant 0 : i32
      %dma_wait3A_602 = arith.constant 0 : i32
      %dma_wait3A_603 = arith.constant 0 : i32
      %dma_wait3A_604 = arith.constant 0 : i32
      %dma_wait3A_605 = tpu.memref_slice %arg6[%dma_wait3A_602, %dma_wait3A_603, %dma_wait3A_604] : memref<5x128x128xf32, #tpu.memory_space<vmem>> -> memref<1x128x128xf32, #tpu.memory_space<vmem>>
      %dma_wait3A_606 = tpu.memref_squeeze %dma_wait3A_605 : memref<1x128x128xf32, #tpu.memory_space<vmem>> -> memref<128x128xf32, #tpu.memory_space<vmem>>
      %dma_wait3A_607 = arith.constant 0 : i32
      %dma_wait3A_608 = tpu.memref_slice %arg5[%dma_wait3A_601, %dma_wait3A_607] : memref<200x128xi32, #tpu.memory_space<vmem>> -> memref<1x128xi32, #tpu.memory_space<vmem>>
      %dma_wait3A_609 = tpu.memref_squeeze %dma_wait3A_608 : memref<1x128xi32, #tpu.memory_space<vmem>> -> memref<128xi32, #tpu.memory_space<vmem>>
      %dma_wait3A_610 = arith.constant 0 : i32
      %dma_wait3A_611 = arith.constant 0 : i32
      %dma_wait3A_612 = tpu.memref_slice %arg3[%dma_wait3A_610, %dma_wait3A_611] : memref<100000x128xf32, #tpu.memory_space<hbm>> -> memref<100000x128xf32, #tpu.memory_space<hbm>>
      tpu.wait_indirect_dma semaphore(%arg7 : memref<!tpu.dma_semaphore, #tpu.memory_space<semaphore_mem>>) src(%dma_wait3A_612 : memref<100000x128xf32, #tpu.memory_space<hbm>>) dst(%dma_wait3A_606 : memref<128x128xf32, #tpu.memory_space<vmem>>)
      %add3A_613 = arith.addi %mul3A_2, %add3A_570 : i32
      %dma_start3A_614 = arith.constant 0 : i32
      %dma_start3A_615 = arith.constant 0 : i32
      %dma_start3A_616 = arith.constant 0 : i32
      %dma_start3A_617 = tpu.memref_slice %arg6[%dma_start3A_614, %dma_start3A_615, %dma_start3A_616] : memref<5x128x128xf32, #tpu.memory_space<vmem>> -> memref<1x128x128xf32, #tpu.memory_space<vmem>>
      %dma_start3A_618 = tpu.memref_squeeze %dma_start3A_617 : memref<1x128x128xf32, #tpu.memory_space<vmem>> -> memref<128x128xf32, #tpu.memory_space<vmem>>
      %dma_start3A_619 = arith.constant 0 : i32
      %dma_start3A_620 = arith.constant 0 : i32
      %dma_start3A_621 = tpu.memref_slice %arg4[%add3A_613, %dma_start3A_619, %dma_start3A_620] : memref<6400x128x128xf32, #tpu.memory_space<hbm>> -> memref<1x128x128xf32, #tpu.memory_space<hbm>>
      %dma_start3A_622 = tpu.memref_squeeze %dma_start3A_621 : memref<1x128x128xf32, #tpu.memory_space<hbm>> -> memref<128x128xf32, #tpu.memory_space<hbm>>
      %dma_start3A_623 = arith.constant 0 : i32
      %dma_start3A_624 = arith.constant 0 : i32
      %dma_start3A_625 = tpu.memref_slice %arg4[%add3A_613, %dma_start3A_623, %dma_start3A_624] : memref<6400x128x128xf32, #tpu.memory_space<hbm>> -> memref<1x128x128xf32, #tpu.memory_space<hbm>>
      %dma_start3A_626 = tpu.memref_squeeze %dma_start3A_625 : memref<1x128x128xf32, #tpu.memory_space<hbm>> -> memref<128x128xf32, #tpu.memory_space<hbm>>
      %dma_start3A_627 = arith.constant 0 : i32
      %dma_start3A_628 = arith.constant 0 : i32
      %dma_start3A_629 = tpu.memref_slice %arg6[%dma_start3A_614, %dma_start3A_627, %dma_start3A_628] : memref<5x128x128xf32, #tpu.memory_space<vmem>> -> memref<1x128x128xf32, #tpu.memory_space<vmem>>
      %dma_start3A_630 = tpu.memref_squeeze %dma_start3A_629 : memref<1x128x128xf32, #tpu.memory_space<vmem>> -> memref<128x128xf32, #tpu.memory_space<vmem>>
      tpu.enqueue_dma source(%dma_start3A_630 : memref<128x128xf32, #tpu.memory_space<vmem>>) target(%dma_start3A_626 : memref<128x128xf32, #tpu.memory_space<hbm>>) target_semaphore(%arg12 : memref<!tpu.dma_semaphore, #tpu.memory_space<semaphore_mem>>)
    }
    %while3A_108 = arith.constant 1 : i32
    scf.for %while3A_318 = %while3A_106 to %while3A_102 step %while3A_108  : i32 {
      %mul3A_319 = arith.muli %while3A_318, %while3A : i32
      %add3A_320 = arith.addi %while3A_99, %mul3A_319 : i32
      %add3A_321 = arith.constant 0 : i32
      %add3A_322 = arith.addi %add3A_320, %add3A_321 : i32
      %dma_wait3A_323 = arith.constant 0 : i32
      %dma_wait3A_324 = arith.constant 0 : i32
      %dma_wait3A_325 = arith.constant 0 : i32
      %dma_wait3A_326 = tpu.memref_slice %arg6[%dma_wait3A_323, %dma_wait3A_324, %dma_wait3A_325] : memref<5x128x128xf32, #tpu.memory_space<vmem>> -> memref<1x128x128xf32, #tpu.memory_space<vmem>>
      %dma_wait3A_327 = tpu.memref_squeeze %dma_wait3A_326 : memref<1x128x128xf32, #tpu.memory_space<vmem>> -> memref<128x128xf32, #tpu.memory_space<vmem>>
      %dma_wait3A_328 = arith.constant 0 : i32
      %dma_wait3A_329 = arith.constant 0 : i32
      %dma_wait3A_330 = tpu.memref_slice %arg4[%mul3A_2, %dma_wait3A_328, %dma_wait3A_329] : memref<6400x128x128xf32, #tpu.memory_space<hbm>> -> memref<1x128x128xf32, #tpu.memory_space<hbm>>
      %dma_wait3A_331 = tpu.memref_squeeze %dma_wait3A_330 : memref<1x128x128xf32, #tpu.memory_space<hbm>> -> memref<128x128xf32, #tpu.memory_space<hbm>>
      %dma_wait3A_332 = arith.constant 0 : i32
      %dma_wait3A_333 = arith.constant 0 : i32
      %dma_wait3A_334 = tpu.memref_slice %arg4[%mul3A_2, %dma_wait3A_332, %dma_wait3A_333] : memref<6400x128x128xf32, #tpu.memory_space<hbm>> -> memref<1x128x128xf32, #tpu.memory_space<hbm>>
      %dma_wait3A_335 = tpu.memref_squeeze %dma_wait3A_334 : memref<1x128x128xf32, #tpu.memory_space<hbm>> -> memref<128x128xf32, #tpu.memory_space<hbm>>
      %dma_wait3A_336 = arith.constant 0 : i32
      %dma_wait3A_337 = arith.constant 0 : i32
      %dma_wait3A_338 = tpu.memref_slice %arg6[%dma_wait3A_323, %dma_wait3A_336, %dma_wait3A_337] : memref<5x128x128xf32, #tpu.memory_space<vmem>> -> memref<1x128x128xf32, #tpu.memory_space<vmem>>
      %dma_wait3A_339 = tpu.memref_squeeze %dma_wait3A_338 : memref<1x128x128xf32, #tpu.memory_space<vmem>> -> memref<128x128xf32, #tpu.memory_space<vmem>>
      tpu.wait_dma2 semaphore(%arg12 : memref<!tpu.dma_semaphore, #tpu.memory_space<semaphore_mem>>) src(%dma_wait3A_339 : memref<128x128xf32, #tpu.memory_space<vmem>>) dst(%dma_wait3A_335 : memref<128x128xf32, #tpu.memory_space<hbm>>)
      %add3A_340 = arith.constant 4 : i32
      %add3A_341 = arith.addi %add3A_322, %add3A_340 : i32
      %dma_start3A_342 = arith.constant 0 : i32
      %dma_start3A_343 = arith.constant 0 : i32
      %dma_start3A_344 = arith.constant 0 : i32
      %dma_start3A_345 = tpu.memref_slice %arg6[%dma_start3A_342, %dma_start3A_343, %dma_start3A_344] : memref<5x128x128xf32, #tpu.memory_space<vmem>> -> memref<1x128x128xf32, #tpu.memory_space<vmem>>
      %dma_start3A_346 = tpu.memref_squeeze %dma_start3A_345 : memref<1x128x128xf32, #tpu.memory_space<vmem>> -> memref<128x128xf32, #tpu.memory_space<vmem>>
      %dma_start3A_347 = arith.constant 0 : i32
      %dma_start3A_348 = tpu.memref_slice %arg5[%add3A_341, %dma_start3A_347] : memref<200x128xi32, #tpu.memory_space<vmem>> -> memref<1x128xi32, #tpu.memory_space<vmem>>
      %dma_start3A_349 = tpu.memref_squeeze %dma_start3A_348 : memref<1x128xi32, #tpu.memory_space<vmem>> -> memref<128xi32, #tpu.memory_space<vmem>>
      %dma_start3A_350 = arith.constant 0 : i32
      %dma_start3A_351 = arith.constant 0 : i32
      %dma_start3A_352 = tpu.memref_slice %arg3[%dma_start3A_350, %dma_start3A_351] : memref<100000x128xf32, #tpu.memory_space<hbm>> -> memref<100000x128xf32, #tpu.memory_space<hbm>>
      tpu.enqueue_indirect_dma source(%dma_start3A_352 : memref<100000x128xf32, #tpu.memory_space<hbm>>) target(%dma_start3A_346 : memref<128x128xf32, #tpu.memory_space<vmem>>) offsets(%dma_start3A_349 : memref<128xi32, #tpu.memory_space<vmem>>) semaphore(%arg7 : memref<!tpu.dma_semaphore, #tpu.memory_space<semaphore_mem>>)
      %dma_wait3A_353 = arith.constant 0 : i32
      %dma_wait3A_354 = arith.constant 1 : i32
      %dma_wait3A_355 = arith.constant 0 : i32
      %dma_wait3A_356 = arith.constant 0 : i32
      %dma_wait3A_357 = tpu.memref_slice %arg6[%dma_wait3A_354, %dma_wait3A_355, %dma_wait3A_356] : memref<5x128x128xf32, #tpu.memory_space<vmem>> -> memref<1x128x128xf32, #tpu.memory_space<vmem>>
      %dma_wait3A_358 = tpu.memref_squeeze %dma_wait3A_357 : memref<1x128x128xf32, #tpu.memory_space<vmem>> -> memref<128x128xf32, #tpu.memory_space<vmem>>
      %dma_wait3A_359 = arith.constant 0 : i32
      %dma_wait3A_360 = tpu.memref_slice %arg5[%dma_wait3A_353, %dma_wait3A_359] : memref<200x128xi32, #tpu.memory_space<vmem>> -> memref<1x128xi32, #tpu.memory_space<vmem>>
      %dma_wait3A_361 = tpu.memref_squeeze %dma_wait3A_360 : memref<1x128xi32, #tpu.memory_space<vmem>> -> memref<128xi32, #tpu.memory_space<vmem>>
      %dma_wait3A_362 = arith.constant 0 : i32
      %dma_wait3A_363 = arith.constant 0 : i32
      %dma_wait3A_364 = tpu.memref_slice %arg3[%dma_wait3A_362, %dma_wait3A_363] : memref<100000x128xf32, #tpu.memory_space<hbm>> -> memref<100000x128xf32, #tpu.memory_space<hbm>>
      tpu.wait_indirect_dma semaphore(%arg8 : memref<!tpu.dma_semaphore, #tpu.memory_space<semaphore_mem>>) src(%dma_wait3A_364 : memref<100000x128xf32, #tpu.memory_space<hbm>>) dst(%dma_wait3A_358 : memref<128x128xf32, #tpu.memory_space<vmem>>)
      %add3A_365 = arith.addi %mul3A_2, %add3A_322 : i32
      %dma_start3A_366 = arith.constant 1 : i32
      %dma_start3A_367 = arith.constant 0 : i32
      %dma_start3A_368 = arith.constant 0 : i32
      %dma_start3A_369 = tpu.memref_slice %arg6[%dma_start3A_366, %dma_start3A_367, %dma_start3A_368] : memref<5x128x128xf32, #tpu.memory_space<vmem>> -> memref<1x128x128xf32, #tpu.memory_space<vmem>>
      %dma_start3A_370 = tpu.memref_squeeze %dma_start3A_369 : memref<1x128x128xf32, #tpu.memory_space<vmem>> -> memref<128x128xf32, #tpu.memory_space<vmem>>
      %dma_start3A_371 = arith.constant 0 : i32
      %dma_start3A_372 = arith.constant 0 : i32
      %dma_start3A_373 = tpu.memref_slice %arg4[%add3A_365, %dma_start3A_371, %dma_start3A_372] : memref<6400x128x128xf32, #tpu.memory_space<hbm>> -> memref<1x128x128xf32, #tpu.memory_space<hbm>>
      %dma_start3A_374 = tpu.memref_squeeze %dma_start3A_373 : memref<1x128x128xf32, #tpu.memory_space<hbm>> -> memref<128x128xf32, #tpu.memory_space<hbm>>
      %dma_start3A_375 = arith.constant 0 : i32
      %dma_start3A_376 = arith.constant 0 : i32
      %dma_start3A_377 = tpu.memref_slice %arg4[%add3A_365, %dma_start3A_375, %dma_start3A_376] : memref<6400x128x128xf32, #tpu.memory_space<hbm>> -> memref<1x128x128xf32, #tpu.memory_space<hbm>>
      %dma_start3A_378 = tpu.memref_squeeze %dma_start3A_377 : memref<1x128x128xf32, #tpu.memory_space<hbm>> -> memref<128x128xf32, #tpu.memory_space<hbm>>
      %dma_start3A_379 = arith.constant 0 : i32
      %dma_start3A_380 = arith.constant 0 : i32
      %dma_start3A_381 = tpu.memref_slice %arg6[%dma_start3A_366, %dma_start3A_379, %dma_start3A_380] : memref<5x128x128xf32, #tpu.memory_space<vmem>> -> memref<1x128x128xf32, #tpu.memory_space<vmem>>
      %dma_start3A_382 = tpu.memref_squeeze %dma_start3A_381 : memref<1x128x128xf32, #tpu.memory_space<vmem>> -> memref<128x128xf32, #tpu.memory_space<vmem>>
      tpu.enqueue_dma source(%dma_start3A_382 : memref<128x128xf32, #tpu.memory_space<vmem>>) target(%dma_start3A_378 : memref<128x128xf32, #tpu.memory_space<hbm>>) target_semaphore(%arg13 : memref<!tpu.dma_semaphore, #tpu.memory_space<semaphore_mem>>)
      %add3A_383 = arith.constant 1 : i32
      %add3A_384 = arith.addi %add3A_320, %add3A_383 : i32
      %dma_wait3A_385 = arith.constant 1 : i32
      %dma_wait3A_386 = arith.constant 0 : i32
      %dma_wait3A_387 = arith.constant 0 : i32
      %dma_wait3A_388 = tpu.memref_slice %arg6[%dma_wait3A_385, %dma_wait3A_386, %dma_wait3A_387] : memref<5x128x128xf32, #tpu.memory_space<vmem>> -> memref<1x128x128xf32, #tpu.memory_space<vmem>>
      %dma_wait3A_389 = tpu.memref_squeeze %dma_wait3A_388 : memref<1x128x128xf32, #tpu.memory_space<vmem>> -> memref<128x128xf32, #tpu.memory_space<vmem>>
      %dma_wait3A_390 = arith.constant 0 : i32
      %dma_wait3A_391 = arith.constant 0 : i32
      %dma_wait3A_392 = tpu.memref_slice %arg4[%mul3A_2, %dma_wait3A_390, %dma_wait3A_391] : memref<6400x128x128xf32, #tpu.memory_space<hbm>> -> memref<1x128x128xf32, #tpu.memory_space<hbm>>
      %dma_wait3A_393 = tpu.memref_squeeze %dma_wait3A_392 : memref<1x128x128xf32, #tpu.memory_space<hbm>> -> memref<128x128xf32, #tpu.memory_space<hbm>>
      %dma_wait3A_394 = arith.constant 0 : i32
      %dma_wait3A_395 = arith.constant 0 : i32
      %dma_wait3A_396 = tpu.memref_slice %arg4[%mul3A_2, %dma_wait3A_394, %dma_wait3A_395] : memref<6400x128x128xf32, #tpu.memory_space<hbm>> -> memref<1x128x128xf32, #tpu.memory_space<hbm>>
      %dma_wait3A_397 = tpu.memref_squeeze %dma_wait3A_396 : memref<1x128x128xf32, #tpu.memory_space<hbm>> -> memref<128x128xf32, #tpu.memory_space<hbm>>
      %dma_wait3A_398 = arith.constant 0 : i32
      %dma_wait3A_399 = arith.constant 0 : i32
      %dma_wait3A_400 = tpu.memref_slice %arg6[%dma_wait3A_385, %dma_wait3A_398, %dma_wait3A_399] : memref<5x128x128xf32, #tpu.memory_space<vmem>> -> memref<1x128x128xf32, #tpu.memory_space<vmem>>
      %dma_wait3A_401 = tpu.memref_squeeze %dma_wait3A_400 : memref<1x128x128xf32, #tpu.memory_space<vmem>> -> memref<128x128xf32, #tpu.memory_space<vmem>>
      tpu.wait_dma2 semaphore(%arg13 : memref<!tpu.dma_semaphore, #tpu.memory_space<semaphore_mem>>) src(%dma_wait3A_401 : memref<128x128xf32, #tpu.memory_space<vmem>>) dst(%dma_wait3A_397 : memref<128x128xf32, #tpu.memory_space<hbm>>)
      %add3A_402 = arith.constant 4 : i32
      %add3A_403 = arith.addi %add3A_384, %add3A_402 : i32
      %dma_start3A_404 = arith.constant 1 : i32
      %dma_start3A_405 = arith.constant 0 : i32
      %dma_start3A_406 = arith.constant 0 : i32
      %dma_start3A_407 = tpu.memref_slice %arg6[%dma_start3A_404, %dma_start3A_405, %dma_start3A_406] : memref<5x128x128xf32, #tpu.memory_space<vmem>> -> memref<1x128x128xf32, #tpu.memory_space<vmem>>
      %dma_start3A_408 = tpu.memref_squeeze %dma_start3A_407 : memref<1x128x128xf32, #tpu.memory_space<vmem>> -> memref<128x128xf32, #tpu.memory_space<vmem>>
      %dma_start3A_409 = arith.constant 0 : i32
      %dma_start3A_410 = tpu.memref_slice %arg5[%add3A_403, %dma_start3A_409] : memref<200x128xi32, #tpu.memory_space<vmem>> -> memref<1x128xi32, #tpu.memory_space<vmem>>
      %dma_start3A_411 = tpu.memref_squeeze %dma_start3A_410 : memref<1x128xi32, #tpu.memory_space<vmem>> -> memref<128xi32, #tpu.memory_space<vmem>>
      %dma_start3A_412 = arith.constant 0 : i32
      %dma_start3A_413 = arith.constant 0 : i32
      %dma_start3A_414 = tpu.memref_slice %arg3[%dma_start3A_412, %dma_start3A_413] : memref<100000x128xf32, #tpu.memory_space<hbm>> -> memref<100000x128xf32, #tpu.memory_space<hbm>>
      tpu.enqueue_indirect_dma source(%dma_start3A_414 : memref<100000x128xf32, #tpu.memory_space<hbm>>) target(%dma_start3A_408 : memref<128x128xf32, #tpu.memory_space<vmem>>) offsets(%dma_start3A_411 : memref<128xi32, #tpu.memory_space<vmem>>) semaphore(%arg8 : memref<!tpu.dma_semaphore, #tpu.memory_space<semaphore_mem>>)
      %dma_wait3A_415 = arith.constant 0 : i32
      %dma_wait3A_416 = arith.constant 2 : i32
      %dma_wait3A_417 = arith.constant 0 : i32
      %dma_wait3A_418 = arith.constant 0 : i32
      %dma_wait3A_419 = tpu.memref_slice %arg6[%dma_wait3A_416, %dma_wait3A_417, %dma_wait3A_418] : memref<5x128x128xf32, #tpu.memory_space<vmem>> -> memref<1x128x128xf32, #tpu.memory_space<vmem>>
      %dma_wait3A_420 = tpu.memref_squeeze %dma_wait3A_419 : memref<1x128x128xf32, #tpu.memory_space<vmem>> -> memref<128x128xf32, #tpu.memory_space<vmem>>
      %dma_wait3A_421 = arith.constant 0 : i32
      %dma_wait3A_422 = tpu.memref_slice %arg5[%dma_wait3A_415, %dma_wait3A_421] : memref<200x128xi32, #tpu.memory_space<vmem>> -> memref<1x128xi32, #tpu.memory_space<vmem>>
      %dma_wait3A_423 = tpu.memref_squeeze %dma_wait3A_422 : memref<1x128xi32, #tpu.memory_space<vmem>> -> memref<128xi32, #tpu.memory_space<vmem>>
      %dma_wait3A_424 = arith.constant 0 : i32
      %dma_wait3A_425 = arith.constant 0 : i32
      %dma_wait3A_426 = tpu.memref_slice %arg3[%dma_wait3A_424, %dma_wait3A_425] : memref<100000x128xf32, #tpu.memory_space<hbm>> -> memref<100000x128xf32, #tpu.memory_space<hbm>>
      tpu.wait_indirect_dma semaphore(%arg9 : memref<!tpu.dma_semaphore, #tpu.memory_space<semaphore_mem>>) src(%dma_wait3A_426 : memref<100000x128xf32, #tpu.memory_space<hbm>>) dst(%dma_wait3A_420 : memref<128x128xf32, #tpu.memory_space<vmem>>)
      %add3A_427 = arith.addi %mul3A_2, %add3A_384 : i32
      %dma_start3A_428 = arith.constant 2 : i32
      %dma_start3A_429 = arith.constant 0 : i32
      %dma_start3A_430 = arith.constant 0 : i32
      %dma_start3A_431 = tpu.memref_slice %arg6[%dma_start3A_428, %dma_start3A_429, %dma_start3A_430] : memref<5x128x128xf32, #tpu.memory_space<vmem>> -> memref<1x128x128xf32, #tpu.memory_space<vmem>>
      %dma_start3A_432 = tpu.memref_squeeze %dma_start3A_431 : memref<1x128x128xf32, #tpu.memory_space<vmem>> -> memref<128x128xf32, #tpu.memory_space<vmem>>
      %dma_start3A_433 = arith.constant 0 : i32
      %dma_start3A_434 = arith.constant 0 : i32
      %dma_start3A_435 = tpu.memref_slice %arg4[%add3A_427, %dma_start3A_433, %dma_start3A_434] : memref<6400x128x128xf32, #tpu.memory_space<hbm>> -> memref<1x128x128xf32, #tpu.memory_space<hbm>>
      %dma_start3A_436 = tpu.memref_squeeze %dma_start3A_435 : memref<1x128x128xf32, #tpu.memory_space<hbm>> -> memref<128x128xf32, #tpu.memory_space<hbm>>
      %dma_start3A_437 = arith.constant 0 : i32
      %dma_start3A_438 = arith.constant 0 : i32
      %dma_start3A_439 = tpu.memref_slice %arg4[%add3A_427, %dma_start3A_437, %dma_start3A_438] : memref<6400x128x128xf32, #tpu.memory_space<hbm>> -> memref<1x128x128xf32, #tpu.memory_space<hbm>>
      %dma_start3A_440 = tpu.memref_squeeze %dma_start3A_439 : memref<1x128x128xf32, #tpu.memory_space<hbm>> -> memref<128x128xf32, #tpu.memory_space<hbm>>
      %dma_start3A_441 = arith.constant 0 : i32
      %dma_start3A_442 = arith.constant 0 : i32
      %dma_start3A_443 = tpu.memref_slice %arg6[%dma_start3A_428, %dma_start3A_441, %dma_start3A_442] : memref<5x128x128xf32, #tpu.memory_space<vmem>> -> memref<1x128x128xf32, #tpu.memory_space<vmem>>
      %dma_start3A_444 = tpu.memref_squeeze %dma_start3A_443 : memref<1x128x128xf32, #tpu.memory_space<vmem>> -> memref<128x128xf32, #tpu.memory_space<vmem>>
      tpu.enqueue_dma source(%dma_start3A_444 : memref<128x128xf32, #tpu.memory_space<vmem>>) target(%dma_start3A_440 : memref<128x128xf32, #tpu.memory_space<hbm>>) target_semaphore(%arg14 : memref<!tpu.dma_semaphore, #tpu.memory_space<semaphore_mem>>)
      %add3A_445 = arith.constant 2 : i32
      %add3A_446 = arith.addi %add3A_320, %add3A_445 : i32
      %dma_wait3A_447 = arith.constant 2 : i32
      %dma_wait3A_448 = arith.constant 0 : i32
      %dma_wait3A_449 = arith.constant 0 : i32
      %dma_wait3A_450 = tpu.memref_slice %arg6[%dma_wait3A_447, %dma_wait3A_448, %dma_wait3A_449] : memref<5x128x128xf32, #tpu.memory_space<vmem>> -> memref<1x128x128xf32, #tpu.memory_space<vmem>>
      %dma_wait3A_451 = tpu.memref_squeeze %dma_wait3A_450 : memref<1x128x128xf32, #tpu.memory_space<vmem>> -> memref<128x128xf32, #tpu.memory_space<vmem>>
      %dma_wait3A_452 = arith.constant 0 : i32
      %dma_wait3A_453 = arith.constant 0 : i32
      %dma_wait3A_454 = tpu.memref_slice %arg4[%mul3A_2, %dma_wait3A_452, %dma_wait3A_453] : memref<6400x128x128xf32, #tpu.memory_space<hbm>> -> memref<1x128x128xf32, #tpu.memory_space<hbm>>
      %dma_wait3A_455 = tpu.memref_squeeze %dma_wait3A_454 : memref<1x128x128xf32, #tpu.memory_space<hbm>> -> memref<128x128xf32, #tpu.memory_space<hbm>>
      %dma_wait3A_456 = arith.constant 0 : i32
      %dma_wait3A_457 = arith.constant 0 : i32
      %dma_wait3A_458 = tpu.memref_slice %arg4[%mul3A_2, %dma_wait3A_456, %dma_wait3A_457] : memref<6400x128x128xf32, #tpu.memory_space<hbm>> -> memref<1x128x128xf32, #tpu.memory_space<hbm>>
      %dma_wait3A_459 = tpu.memref_squeeze %dma_wait3A_458 : memref<1x128x128xf32, #tpu.memory_space<hbm>> -> memref<128x128xf32, #tpu.memory_space<hbm>>
      %dma_wait3A_460 = arith.constant 0 : i32
      %dma_wait3A_461 = arith.constant 0 : i32
      %dma_wait3A_462 = tpu.memref_slice %arg6[%dma_wait3A_447, %dma_wait3A_460, %dma_wait3A_461] : memref<5x128x128xf32, #tpu.memory_space<vmem>> -> memref<1x128x128xf32, #tpu.memory_space<vmem>>
      %dma_wait3A_463 = tpu.memref_squeeze %dma_wait3A_462 : memref<1x128x128xf32, #tpu.memory_space<vmem>> -> memref<128x128xf32, #tpu.memory_space<vmem>>
      tpu.wait_dma2 semaphore(%arg14 : memref<!tpu.dma_semaphore, #tpu.memory_space<semaphore_mem>>) src(%dma_wait3A_463 : memref<128x128xf32, #tpu.memory_space<vmem>>) dst(%dma_wait3A_459 : memref<128x128xf32, #tpu.memory_space<hbm>>)
      %add3A_464 = arith.constant 4 : i32
      %add3A_465 = arith.addi %add3A_446, %add3A_464 : i32
      %dma_start3A_466 = arith.constant 2 : i32
      %dma_start3A_467 = arith.constant 0 : i32
      %dma_start3A_468 = arith.constant 0 : i32
      %dma_start3A_469 = tpu.memref_slice %arg6[%dma_start3A_466, %dma_start3A_467, %dma_start3A_468] : memref<5x128x128xf32, #tpu.memory_space<vmem>> -> memref<1x128x128xf32, #tpu.memory_space<vmem>>
      %dma_start3A_470 = tpu.memref_squeeze %dma_start3A_469 : memref<1x128x128xf32, #tpu.memory_space<vmem>> -> memref<128x128xf32, #tpu.memory_space<vmem>>
      %dma_start3A_471 = arith.constant 0 : i32
      %dma_start3A_472 = tpu.memref_slice %arg5[%add3A_465, %dma_start3A_471] : memref<200x128xi32, #tpu.memory_space<vmem>> -> memref<1x128xi32, #tpu.memory_space<vmem>>
      %dma_start3A_473 = tpu.memref_squeeze %dma_start3A_472 : memref<1x128xi32, #tpu.memory_space<vmem>> -> memref<128xi32, #tpu.memory_space<vmem>>
      %dma_start3A_474 = arith.constant 0 : i32
      %dma_start3A_475 = arith.constant 0 : i32
      %dma_start3A_476 = tpu.memref_slice %arg3[%dma_start3A_474, %dma_start3A_475] : memref<100000x128xf32, #tpu.memory_space<hbm>> -> memref<100000x128xf32, #tpu.memory_space<hbm>>
      tpu.enqueue_indirect_dma source(%dma_start3A_476 : memref<100000x128xf32, #tpu.memory_space<hbm>>) target(%dma_start3A_470 : memref<128x128xf32, #tpu.memory_space<vmem>>) offsets(%dma_start3A_473 : memref<128xi32, #tpu.memory_space<vmem>>) semaphore(%arg9 : memref<!tpu.dma_semaphore, #tpu.memory_space<semaphore_mem>>)
      %dma_wait3A_477 = arith.constant 0 : i32
      %dma_wait3A_478 = arith.constant 3 : i32
      %dma_wait3A_479 = arith.constant 0 : i32
      %dma_wait3A_480 = arith.constant 0 : i32
      %dma_wait3A_481 = tpu.memref_slice %arg6[%dma_wait3A_478, %dma_wait3A_479, %dma_wait3A_480] : memref<5x128x128xf32, #tpu.memory_space<vmem>> -> memref<1x128x128xf32, #tpu.memory_space<vmem>>
      %dma_wait3A_482 = tpu.memref_squeeze %dma_wait3A_481 : memref<1x128x128xf32, #tpu.memory_space<vmem>> -> memref<128x128xf32, #tpu.memory_space<vmem>>
      %dma_wait3A_483 = arith.constant 0 : i32
      %dma_wait3A_484 = tpu.memref_slice %arg5[%dma_wait3A_477, %dma_wait3A_483] : memref<200x128xi32, #tpu.memory_space<vmem>> -> memref<1x128xi32, #tpu.memory_space<vmem>>
      %dma_wait3A_485 = tpu.memref_squeeze %dma_wait3A_484 : memref<1x128xi32, #tpu.memory_space<vmem>> -> memref<128xi32, #tpu.memory_space<vmem>>
      %dma_wait3A_486 = arith.constant 0 : i32
      %dma_wait3A_487 = arith.constant 0 : i32
      %dma_wait3A_488 = tpu.memref_slice %arg3[%dma_wait3A_486, %dma_wait3A_487] : memref<100000x128xf32, #tpu.memory_space<hbm>> -> memref<100000x128xf32, #tpu.memory_space<hbm>>
      tpu.wait_indirect_dma semaphore(%arg10 : memref<!tpu.dma_semaphore, #tpu.memory_space<semaphore_mem>>) src(%dma_wait3A_488 : memref<100000x128xf32, #tpu.memory_space<hbm>>) dst(%dma_wait3A_482 : memref<128x128xf32, #tpu.memory_space<vmem>>)
      %add3A_489 = arith.addi %mul3A_2, %add3A_446 : i32
      %dma_start3A_490 = arith.constant 3 : i32
      %dma_start3A_491 = arith.constant 0 : i32
      %dma_start3A_492 = arith.constant 0 : i32
      %dma_start3A_493 = tpu.memref_slice %arg6[%dma_start3A_490, %dma_start3A_491, %dma_start3A_492] : memref<5x128x128xf32, #tpu.memory_space<vmem>> -> memref<1x128x128xf32, #tpu.memory_space<vmem>>
      %dma_start3A_494 = tpu.memref_squeeze %dma_start3A_493 : memref<1x128x128xf32, #tpu.memory_space<vmem>> -> memref<128x128xf32, #tpu.memory_space<vmem>>
      %dma_start3A_495 = arith.constant 0 : i32
      %dma_start3A_496 = arith.constant 0 : i32
      %dma_start3A_497 = tpu.memref_slice %arg4[%add3A_489, %dma_start3A_495, %dma_start3A_496] : memref<6400x128x128xf32, #tpu.memory_space<hbm>> -> memref<1x128x128xf32, #tpu.memory_space<hbm>>
      %dma_start3A_498 = tpu.memref_squeeze %dma_start3A_497 : memref<1x128x128xf32, #tpu.memory_space<hbm>> -> memref<128x128xf32, #tpu.memory_space<hbm>>
      %dma_start3A_499 = arith.constant 0 : i32
      %dma_start3A_500 = arith.constant 0 : i32
      %dma_start3A_501 = tpu.memref_slice %arg4[%add3A_489, %dma_start3A_499, %dma_start3A_500] : memref<6400x128x128xf32, #tpu.memory_space<hbm>> -> memref<1x128x128xf32, #tpu.memory_space<hbm>>
      %dma_start3A_502 = tpu.memref_squeeze %dma_start3A_501 : memref<1x128x128xf32, #tpu.memory_space<hbm>> -> memref<128x128xf32, #tpu.memory_space<hbm>>
      %dma_start3A_503 = arith.constant 0 : i32
      %dma_start3A_504 = arith.constant 0 : i32
      %dma_start3A_505 = tpu.memref_slice %arg6[%dma_start3A_490, %dma_start3A_503, %dma_start3A_504] : memref<5x128x128xf32, #tpu.memory_space<vmem>> -> memref<1x128x128xf32, #tpu.memory_space<vmem>>
      %dma_start3A_506 = tpu.memref_squeeze %dma_start3A_505 : memref<1x128x128xf32, #tpu.memory_space<vmem>> -> memref<128x128xf32, #tpu.memory_space<vmem>>
      tpu.enqueue_dma source(%dma_start3A_506 : memref<128x128xf32, #tpu.memory_space<vmem>>) target(%dma_start3A_502 : memref<128x128xf32, #tpu.memory_space<hbm>>) target_semaphore(%arg15 : memref<!tpu.dma_semaphore, #tpu.memory_space<semaphore_mem>>)
      %add3A_507 = arith.constant 3 : i32
      %add3A_508 = arith.addi %add3A_320, %add3A_507 : i32
      %dma_wait3A_509 = arith.constant 3 : i32
      %dma_wait3A_510 = arith.constant 0 : i32
      %dma_wait3A_511 = arith.constant 0 : i32
      %dma_wait3A_512 = tpu.memref_slice %arg6[%dma_wait3A_509, %dma_wait3A_510, %dma_wait3A_511] : memref<5x128x128xf32, #tpu.memory_space<vmem>> -> memref<1x128x128xf32, #tpu.memory_space<vmem>>
      %dma_wait3A_513 = tpu.memref_squeeze %dma_wait3A_512 : memref<1x128x128xf32, #tpu.memory_space<vmem>> -> memref<128x128xf32, #tpu.memory_space<vmem>>
      %dma_wait3A_514 = arith.constant 0 : i32
      %dma_wait3A_515 = arith.constant 0 : i32
      %dma_wait3A_516 = tpu.memref_slice %arg4[%mul3A_2, %dma_wait3A_514, %dma_wait3A_515] : memref<6400x128x128xf32, #tpu.memory_space<hbm>> -> memref<1x128x128xf32, #tpu.memory_space<hbm>>
      %dma_wait3A_517 = tpu.memref_squeeze %dma_wait3A_516 : memref<1x128x128xf32, #tpu.memory_space<hbm>> -> memref<128x128xf32, #tpu.memory_space<hbm>>
      %dma_wait3A_518 = arith.constant 0 : i32
      %dma_wait3A_519 = arith.constant 0 : i32
      %dma_wait3A_520 = tpu.memref_slice %arg4[%mul3A_2, %dma_wait3A_518, %dma_wait3A_519] : memref<6400x128x128xf32, #tpu.memory_space<hbm>> -> memref<1x128x128xf32, #tpu.memory_space<hbm>>
      %dma_wait3A_521 = tpu.memref_squeeze %dma_wait3A_520 : memref<1x128x128xf32, #tpu.memory_space<hbm>> -> memref<128x128xf32, #tpu.memory_space<hbm>>
      %dma_wait3A_522 = arith.constant 0 : i32
      %dma_wait3A_523 = arith.constant 0 : i32
      %dma_wait3A_524 = tpu.memref_slice %arg6[%dma_wait3A_509, %dma_wait3A_522, %dma_wait3A_523] : memref<5x128x128xf32, #tpu.memory_space<vmem>> -> memref<1x128x128xf32, #tpu.memory_space<vmem>>
      %dma_wait3A_525 = tpu.memref_squeeze %dma_wait3A_524 : memref<1x128x128xf32, #tpu.memory_space<vmem>> -> memref<128x128xf32, #tpu.memory_space<vmem>>
      tpu.wait_dma2 semaphore(%arg15 : memref<!tpu.dma_semaphore, #tpu.memory_space<semaphore_mem>>) src(%dma_wait3A_525 : memref<128x128xf32, #tpu.memory_space<vmem>>) dst(%dma_wait3A_521 : memref<128x128xf32, #tpu.memory_space<hbm>>)
      %add3A_526 = arith.constant 4 : i32
      %add3A_527 = arith.addi %add3A_508, %add3A_526 : i32
      %dma_start3A_528 = arith.constant 3 : i32
      %dma_start3A_529 = arith.constant 0 : i32
      %dma_start3A_530 = arith.constant 0 : i32
      %dma_start3A_531 = tpu.memref_slice %arg6[%dma_start3A_528, %dma_start3A_529, %dma_start3A_530] : memref<5x128x128xf32, #tpu.memory_space<vmem>> -> memref<1x128x128xf32, #tpu.memory_space<vmem>>
      %dma_start3A_532 = tpu.memref_squeeze %dma_start3A_531 : memref<1x128x128xf32, #tpu.memory_space<vmem>> -> memref<128x128xf32, #tpu.memory_space<vmem>>
      %dma_start3A_533 = arith.constant 0 : i32
      %dma_start3A_534 = tpu.memref_slice %arg5[%add3A_527, %dma_start3A_533] : memref<200x128xi32, #tpu.memory_space<vmem>> -> memref<1x128xi32, #tpu.memory_space<vmem>>
      %dma_start3A_535 = tpu.memref_squeeze %dma_start3A_534 : memref<1x128xi32, #tpu.memory_space<vmem>> -> memref<128xi32, #tpu.memory_space<vmem>>
      %dma_start3A_536 = arith.constant 0 : i32
      %dma_start3A_537 = arith.constant 0 : i32
      %dma_start3A_538 = tpu.memref_slice %arg3[%dma_start3A_536, %dma_start3A_537] : memref<100000x128xf32, #tpu.memory_space<hbm>> -> memref<100000x128xf32, #tpu.memory_space<hbm>>
      tpu.enqueue_indirect_dma source(%dma_start3A_538 : memref<100000x128xf32, #tpu.memory_space<hbm>>) target(%dma_start3A_532 : memref<128x128xf32, #tpu.memory_space<vmem>>) offsets(%dma_start3A_535 : memref<128xi32, #tpu.memory_space<vmem>>) semaphore(%arg10 : memref<!tpu.dma_semaphore, #tpu.memory_space<semaphore_mem>>)
      %dma_wait3A_539 = arith.constant 0 : i32
      %dma_wait3A_540 = arith.constant 4 : i32
      %dma_wait3A_541 = arith.constant 0 : i32
      %dma_wait3A_542 = arith.constant 0 : i32
      %dma_wait3A_543 = tpu.memref_slice %arg6[%dma_wait3A_540, %dma_wait3A_541, %dma_wait3A_542] : memref<5x128x128xf32, #tpu.memory_space<vmem>> -> memref<1x128x128xf32, #tpu.memory_space<vmem>>
      %dma_wait3A_544 = tpu.memref_squeeze %dma_wait3A_543 : memref<1x128x128xf32, #tpu.memory_space<vmem>> -> memref<128x128xf32, #tpu.memory_space<vmem>>
      %dma_wait3A_545 = arith.constant 0 : i32
      %dma_wait3A_546 = tpu.memref_slice %arg5[%dma_wait3A_539, %dma_wait3A_545] : memref<200x128xi32, #tpu.memory_space<vmem>> -> memref<1x128xi32, #tpu.memory_space<vmem>>
      %dma_wait3A_547 = tpu.memref_squeeze %dma_wait3A_546 : memref<1x128xi32, #tpu.memory_space<vmem>> -> memref<128xi32, #tpu.memory_space<vmem>>
      %dma_wait3A_548 = arith.constant 0 : i32
      %dma_wait3A_549 = arith.constant 0 : i32
      %dma_wait3A_550 = tpu.memref_slice %arg3[%dma_wait3A_548, %dma_wait3A_549] : memref<100000x128xf32, #tpu.memory_space<hbm>> -> memref<100000x128xf32, #tpu.memory_space<hbm>>
      tpu.wait_indirect_dma semaphore(%arg11 : memref<!tpu.dma_semaphore, #tpu.memory_space<semaphore_mem>>) src(%dma_wait3A_550 : memref<100000x128xf32, #tpu.memory_space<hbm>>) dst(%dma_wait3A_544 : memref<128x128xf32, #tpu.memory_space<vmem>>)
      %add3A_551 = arith.addi %mul3A_2, %add3A_508 : i32
      %dma_start3A_552 = arith.constant 4 : i32
      %dma_start3A_553 = arith.constant 0 : i32
      %dma_start3A_554 = arith.constant 0 : i32
      %dma_start3A_555 = tpu.memref_slice %arg6[%dma_start3A_552, %dma_start3A_553, %dma_start3A_554] : memref<5x128x128xf32, #tpu.memory_space<vmem>> -> memref<1x128x128xf32, #tpu.memory_space<vmem>>
      %dma_start3A_556 = tpu.memref_squeeze %dma_start3A_555 : memref<1x128x128xf32, #tpu.memory_space<vmem>> -> memref<128x128xf32, #tpu.memory_space<vmem>>
      %dma_start3A_557 = arith.constant 0 : i32
      %dma_start3A_558 = arith.constant 0 : i32
      %dma_start3A_559 = tpu.memref_slice %arg4[%add3A_551, %dma_start3A_557, %dma_start3A_558] : memref<6400x128x128xf32, #tpu.memory_space<hbm>> -> memref<1x128x128xf32, #tpu.memory_space<hbm>>
      %dma_start3A_560 = tpu.memref_squeeze %dma_start3A_559 : memref<1x128x128xf32, #tpu.memory_space<hbm>> -> memref<128x128xf32, #tpu.memory_space<hbm>>
      %dma_start3A_561 = arith.constant 0 : i32
      %dma_start3A_562 = arith.constant 0 : i32
      %dma_start3A_563 = tpu.memref_slice %arg4[%add3A_551, %dma_start3A_561, %dma_start3A_562] : memref<6400x128x128xf32, #tpu.memory_space<hbm>> -> memref<1x128x128xf32, #tpu.memory_space<hbm>>
      %dma_start3A_564 = tpu.memref_squeeze %dma_start3A_563 : memref<1x128x128xf32, #tpu.memory_space<hbm>> -> memref<128x128xf32, #tpu.memory_space<hbm>>
      %dma_start3A_565 = arith.constant 0 : i32
      %dma_start3A_566 = arith.constant 0 : i32
      %dma_start3A_567 = tpu.memref_slice %arg6[%dma_start3A_552, %dma_start3A_565, %dma_start3A_566] : memref<5x128x128xf32, #tpu.memory_space<vmem>> -> memref<1x128x128xf32, #tpu.memory_space<vmem>>
      %dma_start3A_568 = tpu.memref_squeeze %dma_start3A_567 : memref<1x128x128xf32, #tpu.memory_space<vmem>> -> memref<128x128xf32, #tpu.memory_space<vmem>>
      tpu.enqueue_dma source(%dma_start3A_568 : memref<128x128xf32, #tpu.memory_space<vmem>>) target(%dma_start3A_564 : memref<128x128xf32, #tpu.memory_space<hbm>>) target_semaphore(%arg16 : memref<!tpu.dma_semaphore, #tpu.memory_space<semaphore_mem>>)
      %add3A_569 = arith.constant 4 : i32
      %add3A_570 = arith.addi %add3A_320, %add3A_569 : i32
      %dma_wait3A_571 = arith.constant 4 : i32
      %dma_wait3A_572 = arith.constant 0 : i32
      %dma_wait3A_573 = arith.constant 0 : i32
      %dma_wait3A_574 = tpu.memref_slice %arg6[%dma_wait3A_571, %dma_wait3A_572, %dma_wait3A_573] : memref<5x128x128xf32, #tpu.memory_space<vmem>> -> memref<1x128x128xf32, #tpu.memory_space<vmem>>
      %dma_wait3A_575 = tpu.memref_squeeze %dma_wait3A_574 : memref<1x128x128xf32, #tpu.memory_space<vmem>> -> memref<128x128xf32, #tpu.memory_space<vmem>>
      %dma_wait3A_576 = arith.constant 0 : i32
      %dma_wait3A_577 = arith.constant 0 : i32
      %dma_wait3A_578 = tpu.memref_slice %arg4[%mul3A_2, %dma_wait3A_576, %dma_wait3A_577] : memref<6400x128x128xf32, #tpu.memory_space<hbm>> -> memref<1x128x128xf32, #tpu.memory_space<hbm>>
      %dma_wait3A_579 = tpu.memref_squeeze %dma_wait3A_578 : memref<1x128x128xf32, #tpu.memory_space<hbm>> -> memref<128x128xf32, #tpu.memory_space<hbm>>
      %dma_wait3A_580 = arith.constant 0 : i32
      %dma_wait3A_581 = arith.constant 0 : i32
      %dma_wait3A_582 = tpu.memref_slice %arg4[%mul3A_2, %dma_wait3A_580, %dma_wait3A_581] : memref<6400x128x128xf32, #tpu.memory_space<hbm>> -> memref<1x128x128xf32, #tpu.memory_space<hbm>>
      %dma_wait3A_583 = tpu.memref_squeeze %dma_wait3A_582 : memref<1x128x128xf32, #tpu.memory_space<hbm>> -> memref<128x128xf32, #tpu.memory_space<hbm>>
      %dma_wait3A_584 = arith.constant 0 : i32
      %dma_wait3A_585 = arith.constant 0 : i32
      %dma_wait3A_586 = tpu.memref_slice %arg6[%dma_wait3A_571, %dma_wait3A_584, %dma_wait3A_585] : memref<5x128x128xf32, #tpu.memory_space<vmem>> -> memref<1x128x128xf32, #tpu.memory_space<vmem>>
      %dma_wait3A_587 = tpu.memref_squeeze %dma_wait3A_586 : memref<1x128x128xf32, #tpu.memory_space<vmem>> -> memref<128x128xf32, #tpu.memory_space<vmem>>
      tpu.wait_dma2 semaphore(%arg16 : memref<!tpu.dma_semaphore, #tpu.memory_space<semaphore_mem>>) src(%dma_wait3A_587 : memref<128x128xf32, #tpu.memory_space<vmem>>) dst(%dma_wait3A_583 : memref<128x128xf32, #tpu.memory_space<hbm>>)
      %add3A_588 = arith.constant 4 : i32
      %add3A_589 = arith.addi %add3A_570, %add3A_588 : i32
      %dma_start3A_590 = arith.constant 4 : i32
      %dma_start3A_591 = arith.constant 0 : i32
      %dma_start3A_592 = arith.constant 0 : i32
      %dma_start3A_593 = tpu.memref_slice %arg6[%dma_start3A_590, %dma_start3A_591, %dma_start3A_592] : memref<5x128x128xf32, #tpu.memory_space<vmem>> -> memref<1x128x128xf32, #tpu.memory_space<vmem>>
      %dma_start3A_594 = tpu.memref_squeeze %dma_start3A_593 : memref<1x128x128xf32, #tpu.memory_space<vmem>> -> memref<128x128xf32, #tpu.memory_space<vmem>>
      %dma_start3A_595 = arith.constant 0 : i32
      %dma_start3A_596 = tpu.memref_slice %arg5[%add3A_589, %dma_start3A_595] : memref<200x128xi32, #tpu.memory_space<vmem>> -> memref<1x128xi32, #tpu.memory_space<vmem>>
      %dma_start3A_597 = tpu.memref_squeeze %dma_start3A_596 : memref<1x128xi32, #tpu.memory_space<vmem>> -> memref<128xi32, #tpu.memory_space<vmem>>
      %dma_start3A_598 = arith.constant 0 : i32
      %dma_start3A_599 = arith.constant 0 : i32
      %dma_start3A_600 = tpu.memref_slice %arg3[%dma_start3A_598, %dma_start3A_599] : memref<100000x128xf32, #tpu.memory_space<hbm>> -> memref<100000x128xf32, #tpu.memory_space<hbm>>
      tpu.enqueue_indirect_dma source(%dma_start3A_600 : memref<100000x128xf32, #tpu.memory_space<hbm>>) target(%dma_start3A_594 : memref<128x128xf32, #tpu.memory_space<vmem>>) offsets(%dma_start3A_597 : memref<128xi32, #tpu.memory_space<vmem>>) semaphore(%arg11 : memref<!tpu.dma_semaphore, #tpu.memory_space<semaphore_mem>>)
      %dma_wait3A_601 = arith.constant 0 : i32
      %dma_wait3A_602 = arith.constant 0 : i32
      %dma_wait3A_603 = arith.constant 0 : i32
      %dma_wait3A_604 = arith.constant 0 : i32
      %dma_wait3A_605 = tpu.memref_slice %arg6[%dma_wait3A_602, %dma_wait3A_603, %dma_wait3A_604] : memref<5x128x128xf32, #tpu.memory_space<vmem>> -> memref<1x128x128xf32, #tpu.memory_space<vmem>>
      %dma_wait3A_606 = tpu.memref_squeeze %dma_wait3A_605 : memref<1x128x128xf32, #tpu.memory_space<vmem>> -> memref<128x128xf32, #tpu.memory_space<vmem>>
      %dma_wait3A_607 = arith.constant 0 : i32
      %dma_wait3A_608 = tpu.memref_slice %arg5[%dma_wait3A_601, %dma_wait3A_607] : memref<200x128xi32, #tpu.memory_space<vmem>> -> memref<1x128xi32, #tpu.memory_space<vmem>>
      %dma_wait3A_609 = tpu.memref_squeeze %dma_wait3A_608 : memref<1x128xi32, #tpu.memory_space<vmem>> -> memref<128xi32, #tpu.memory_space<vmem>>
      %dma_wait3A_610 = arith.constant 0 : i32
      %dma_wait3A_611 = arith.constant 0 : i32
      %dma_wait3A_612 = tpu.memref_slice %arg3[%dma_wait3A_610, %dma_wait3A_611] : memref<100000x128xf32, #tpu.memory_space<hbm>> -> memref<100000x128xf32, #tpu.memory_space<hbm>>
      tpu.wait_indirect_dma semaphore(%arg7 : memref<!tpu.dma_semaphore, #tpu.memory_space<semaphore_mem>>) src(%dma_wait3A_612 : memref<100000x128xf32, #tpu.memory_space<hbm>>) dst(%dma_wait3A_606 : memref<128x128xf32, #tpu.memory_space<vmem>>)
      %add3A_613 = arith.addi %mul3A_2, %add3A_570 : i32
      %dma_start3A_614 = arith.constant 0 : i32
      %dma_start3A_615 = arith.constant 0 : i32
      %dma_start3A_616 = arith.constant 0 : i32
      %dma_start3A_617 = tpu.memref_slice %arg6[%dma_start3A_614, %dma_start3A_615, %dma_start3A_616] : memref<5x128x128xf32, #tpu.memory_space<vmem>> -> memref<1x128x128xf32, #tpu.memory_space<vmem>>
      %dma_start3A_618 = tpu.memref_squeeze %dma_start3A_617 : memref<1x128x128xf32, #tpu.memory_space<vmem>> -> memref<128x128xf32, #tpu.memory_space<vmem>>
      %dma_start3A_619 = arith.constant 0 : i32
      %dma_start3A_620 = arith.constant 0 : i32
      %dma_start3A_621 = tpu.memref_slice %arg4[%add3A_613, %dma_start3A_619, %dma_start3A_620] : memref<6400x128x128xf32, #tpu.memory_space<hbm>> -> memref<1x128x128xf32, #tpu.memory_space<hbm>>
      %dma_start3A_622 = tpu.memref_squeeze %dma_start3A_621 : memref<1x128x128xf32, #tpu.memory_space<hbm>> -> memref<128x128xf32, #tpu.memory_space<hbm>>
      %dma_start3A_623 = arith.constant 0 : i32
      %dma_start3A_624 = arith.constant 0 : i32
      %dma_start3A_625 = tpu.memref_slice %arg4[%add3A_613, %dma_start3A_623, %dma_start3A_624] : memref<6400x128x128xf32, #tpu.memory_space<hbm>> -> memref<1x128x128xf32, #tpu.memory_space<hbm>>
      %dma_start3A_626 = tpu.memref_squeeze %dma_start3A_625 : memref<1x128x128xf32, #tpu.memory_space<hbm>> -> memref<128x128xf32, #tpu.memory_space<hbm>>
      %dma_start3A_627 = arith.constant 0 : i32
      %dma_start3A_628 = arith.constant 0 : i32
      %dma_start3A_629 = tpu.memref_slice %arg6[%dma_start3A_614, %dma_start3A_627, %dma_start3A_628] : memref<5x128x128xf32, #tpu.memory_space<vmem>> -> memref<1x128x128xf32, #tpu.memory_space<vmem>>
      %dma_start3A_630 = tpu.memref_squeeze %dma_start3A_629 : memref<1x128x128xf32, #tpu.memory_space<vmem>> -> memref<128x128xf32, #tpu.memory_space<vmem>>
      tpu.enqueue_dma source(%dma_start3A_630 : memref<128x128xf32, #tpu.memory_space<vmem>>) target(%dma_start3A_626 : memref<128x128xf32, #tpu.memory_space<hbm>>) target_semaphore(%arg12 : memref<!tpu.dma_semaphore, #tpu.memory_space<semaphore_mem>>)
    }
    %dma_wait3A_109 = arith.constant 0 : i32
    %dma_wait3A_110 = arith.constant 1 : i32
    %dma_wait3A_111 = arith.constant 0 : i32
    %dma_wait3A_112 = arith.constant 0 : i32
    %dma_wait3A_113 = tpu.memref_slice %arg6[%dma_wait3A_110, %dma_wait3A_111, %dma_wait3A_112] : memref<5x128x128xf32, #tpu.memory_space<vmem>> -> memref<1x128x128xf32, #tpu.memory_space<vmem>>
    %dma_wait3A_114 = tpu.memref_squeeze %dma_wait3A_113 : memref<1x128x128xf32, #tpu.memory_space<vmem>> -> memref<128x128xf32, #tpu.memory_space<vmem>>
    %dma_wait3A_115 = arith.constant 0 : i32
    %dma_wait3A_116 = tpu.memref_slice %arg5[%dma_wait3A_109, %dma_wait3A_115] : memref<200x128xi32, #tpu.memory_space<vmem>> -> memref<1x128xi32, #tpu.memory_space<vmem>>
    %dma_wait3A_117 = tpu.memref_squeeze %dma_wait3A_116 : memref<1x128xi32, #tpu.memory_space<vmem>> -> memref<128xi32, #tpu.memory_space<vmem>>
    %dma_wait3A_118 = arith.constant 0 : i32
    %dma_wait3A_119 = arith.constant 0 : i32
    %dma_wait3A_120 = tpu.memref_slice %arg3[%dma_wait3A_118, %dma_wait3A_119] : memref<100000x128xf32, #tpu.memory_space<hbm>> -> memref<100000x128xf32, #tpu.memory_space<hbm>>
    tpu.wait_indirect_dma semaphore(%arg8 : memref<!tpu.dma_semaphore, #tpu.memory_space<semaphore_mem>>) src(%dma_wait3A_120 : memref<100000x128xf32, #tpu.memory_space<hbm>>) dst(%dma_wait3A_114 : memref<128x128xf32, #tpu.memory_space<vmem>>)
    %add3A_121 = arith.constant 196 : i32
    %add3A_122 = arith.addi %mul3A_2, %add3A_121 : i32
    %dma_start3A_123 = arith.constant 1 : i32
    %dma_start3A_124 = arith.constant 0 : i32
    %dma_start3A_125 = arith.constant 0 : i32
    %dma_start3A_126 = tpu.memref_slice %arg6[%dma_start3A_123, %dma_start3A_124, %dma_start3A_125] : memref<5x128x128xf32, #tpu.memory_space<vmem>> -> memref<1x128x128xf32, #tpu.memory_space<vmem>>
    %dma_start3A_127 = tpu.memref_squeeze %dma_start3A_126 : memref<1x128x128xf32, #tpu.memory_space<vmem>> -> memref<128x128xf32, #tpu.memory_space<vmem>>
    %dma_start3A_128 = arith.constant 0 : i32
    %dma_start3A_129 = arith.constant 0 : i32
    %dma_start3A_130 = tpu.memref_slice %arg4[%add3A_122, %dma_start3A_128, %dma_start3A_129] : memref<6400x128x128xf32, #tpu.memory_space<hbm>> -> memref<1x128x128xf32, #tpu.memory_space<hbm>>
    %dma_start3A_131 = tpu.memref_squeeze %dma_start3A_130 : memref<1x128x128xf32, #tpu.memory_space<hbm>> -> memref<128x128xf32, #tpu.memory_space<hbm>>
    %dma_start3A_132 = arith.constant 0 : i32
    %dma_start3A_133 = arith.constant 0 : i32
    %dma_start3A_134 = tpu.memref_slice %arg4[%add3A_122, %dma_start3A_132, %dma_start3A_133] : memref<6400x128x128xf32, #tpu.memory_space<hbm>> -> memref<1x128x128xf32, #tpu.memory_space<hbm>>
    %dma_start3A_135 = tpu.memref_squeeze %dma_start3A_134 : memref<1x128x128xf32, #tpu.memory_space<hbm>> -> memref<128x128xf32, #tpu.memory_space<hbm>>
    %dma_start3A_136 = arith.constant 0 : i32
    %dma_start3A_137 = arith.constant 0 : i32
    %dma_start3A_138 = tpu.memref_slice %arg6[%dma_start3A_123, %dma_start3A_136, %dma_start3A_137] : memref<5x128x128xf32, #tpu.memory_space<vmem>> -> memref<1x128x128xf32, #tpu.memory_space<vmem>>
    %dma_start3A_139 = tpu.memref_squeeze %dma_start3A_138 : memref<1x128x128xf32, #tpu.memory_space<vmem>> -> memref<128x128xf32, #tpu.memory_space<vmem>>
    tpu.enqueue_dma source(%dma_start3A_139 : memref<128x128xf32, #tpu.memory_space<vmem>>) target(%dma_start3A_135 : memref<128x128xf32, #tpu.memory_space<hbm>>) target_semaphore(%arg13 : memref<!tpu.dma_semaphore, #tpu.memory_space<semaphore_mem>>)
    %dma_wait3A_140 = arith.constant 0 : i32
    %dma_wait3A_141 = arith.constant 2 : i32
    %dma_wait3A_142 = arith.constant 0 : i32
    %dma_wait3A_143 = arith.constant 0 : i32
    %dma_wait3A_144 = tpu.memref_slice %arg6[%dma_wait3A_141, %dma_wait3A_142, %dma_wait3A_143] : memref<5x128x128xf32, #tpu.memory_space<vmem>> -> memref<1x128x128xf32, #tpu.memory_space<vmem>>
    %dma_wait3A_145 = tpu.memref_squeeze %dma_wait3A_144 : memref<1x128x128xf32, #tpu.memory_space<vmem>> -> memref<128x128xf32, #tpu.memory_space<vmem>>
    %dma_wait3A_146 = arith.constant 0 : i32
    %dma_wait3A_147 = tpu.memref_slice %arg5[%dma_wait3A_140, %dma_wait3A_146] : memref<200x128xi32, #tpu.memory_space<vmem>> -> memref<1x128xi32, #tpu.memory_space<vmem>>
    %dma_wait3A_148 = tpu.memref_squeeze %dma_wait3A_147 : memref<1x128xi32, #tpu.memory_space<vmem>> -> memref<128xi32, #tpu.memory_space<vmem>>
    %dma_wait3A_149 = arith.constant 0 : i32
    %dma_wait3A_150 = arith.constant 0 : i32
    %dma_wait3A_151 = tpu.memref_slice %arg3[%dma_wait3A_149, %dma_wait3A_150] : memref<100000x128xf32, #tpu.memory_space<hbm>> -> memref<100000x128xf32, #tpu.memory_space<hbm>>
    tpu.wait_indirect_dma semaphore(%arg9 : memref<!tpu.dma_semaphore, #tpu.memory_space<semaphore_mem>>) src(%dma_wait3A_151 : memref<100000x128xf32, #tpu.memory_space<hbm>>) dst(%dma_wait3A_145 : memref<128x128xf32, #tpu.memory_space<vmem>>)
    %add3A_152 = arith.constant 197 : i32
    %add3A_153 = arith.addi %mul3A_2, %add3A_152 : i32
    %dma_start3A_154 = arith.constant 2 : i32
    %dma_start3A_155 = arith.constant 0 : i32
    %dma_start3A_156 = arith.constant 0 : i32
    %dma_start3A_157 = tpu.memref_slice %arg6[%dma_start3A_154, %dma_start3A_155, %dma_start3A_156] : memref<5x128x128xf32, #tpu.memory_space<vmem>> -> memref<1x128x128xf32, #tpu.memory_space<vmem>>
    %dma_start3A_158 = tpu.memref_squeeze %dma_start3A_157 : memref<1x128x128xf32, #tpu.memory_space<vmem>> -> memref<128x128xf32, #tpu.memory_space<vmem>>
    %dma_start3A_159 = arith.constant 0 : i32
    %dma_start3A_160 = arith.constant 0 : i32
    %dma_start3A_161 = tpu.memref_slice %arg4[%add3A_153, %dma_start3A_159, %dma_start3A_160] : memref<6400x128x128xf32, #tpu.memory_space<hbm>> -> memref<1x128x128xf32, #tpu.memory_space<hbm>>
    %dma_start3A_162 = tpu.memref_squeeze %dma_start3A_161 : memref<1x128x128xf32, #tpu.memory_space<hbm>> -> memref<128x128xf32, #tpu.memory_space<hbm>>
    %dma_start3A_163 = arith.constant 0 : i32
    %dma_start3A_164 = arith.constant 0 : i32
    %dma_start3A_165 = tpu.memref_slice %arg4[%add3A_153, %dma_start3A_163, %dma_start3A_164] : memref<6400x128x128xf32, #tpu.memory_space<hbm>> -> memref<1x128x128xf32, #tpu.memory_space<hbm>>
    %dma_start3A_166 = tpu.memref_squeeze %dma_start3A_165 : memref<1x128x128xf32, #tpu.memory_space<hbm>> -> memref<128x128xf32, #tpu.memory_space<hbm>>
    %dma_start3A_167 = arith.constant 0 : i32
    %dma_start3A_168 = arith.constant 0 : i32
    %dma_start3A_169 = tpu.memref_slice %arg6[%dma_start3A_154, %dma_start3A_167, %dma_start3A_168] : memref<5x128x128xf32, #tpu.memory_space<vmem>> -> memref<1x128x128xf32, #tpu.memory_space<vmem>>
    %dma_start3A_170 = tpu.memref_squeeze %dma_start3A_169 : memref<1x128x128xf32, #tpu.memory_space<vmem>> -> memref<128x128xf32, #tpu.memory_space<vmem>>
    tpu.enqueue_dma source(%dma_start3A_170 : memref<128x128xf32, #tpu.memory_space<vmem>>) target(%dma_start3A_166 : memref<128x128xf32, #tpu.memory_space<hbm>>) target_semaphore(%arg14 : memref<!tpu.dma_semaphore, #tpu.memory_space<semaphore_mem>>)
    %dma_wait3A_171 = arith.constant 0 : i32
    %dma_wait3A_172 = arith.constant 3 : i32
    %dma_wait3A_173 = arith.constant 0 : i32
    %dma_wait3A_174 = arith.constant 0 : i32
    %dma_wait3A_175 = tpu.memref_slice %arg6[%dma_wait3A_172, %dma_wait3A_173, %dma_wait3A_174] : memref<5x128x128xf32, #tpu.memory_space<vmem>> -> memref<1x128x128xf32, #tpu.memory_space<vmem>>
    %dma_wait3A_176 = tpu.memref_squeeze %dma_wait3A_175 : memref<1x128x128xf32, #tpu.memory_space<vmem>> -> memref<128x128xf32, #tpu.memory_space<vmem>>
    %dma_wait3A_177 = arith.constant 0 : i32
    %dma_wait3A_178 = tpu.memref_slice %arg5[%dma_wait3A_171, %dma_wait3A_177] : memref<200x128xi32, #tpu.memory_space<vmem>> -> memref<1x128xi32, #tpu.memory_space<vmem>>
    %dma_wait3A_179 = tpu.memref_squeeze %dma_wait3A_178 : memref<1x128xi32, #tpu.memory_space<vmem>> -> memref<128xi32, #tpu.memory_space<vmem>>
    %dma_wait3A_180 = arith.constant 0 : i32
    %dma_wait3A_181 = arith.constant 0 : i32
    %dma_wait3A_182 = tpu.memref_slice %arg3[%dma_wait3A_180, %dma_wait3A_181] : memref<100000x128xf32, #tpu.memory_space<hbm>> -> memref<100000x128xf32, #tpu.memory_space<hbm>>
    tpu.wait_indirect_dma semaphore(%arg10 : memref<!tpu.dma_semaphore, #tpu.memory_space<semaphore_mem>>) src(%dma_wait3A_182 : memref<100000x128xf32, #tpu.memory_space<hbm>>) dst(%dma_wait3A_176 : memref<128x128xf32, #tpu.memory_space<vmem>>)
    %add3A_183 = arith.constant 198 : i32
    %add3A_184 = arith.addi %mul3A_2, %add3A_183 : i32
    %dma_start3A_185 = arith.constant 3 : i32
    %dma_start3A_186 = arith.constant 0 : i32
    %dma_start3A_187 = arith.constant 0 : i32
    %dma_start3A_188 = tpu.memref_slice %arg6[%dma_start3A_185, %dma_start3A_186, %dma_start3A_187] : memref<5x128x128xf32, #tpu.memory_space<vmem>> -> memref<1x128x128xf32, #tpu.memory_space<vmem>>
    %dma_start3A_189 = tpu.memref_squeeze %dma_start3A_188 : memref<1x128x128xf32, #tpu.memory_space<vmem>> -> memref<128x128xf32, #tpu.memory_space<vmem>>
    %dma_start3A_190 = arith.constant 0 : i32
    %dma_start3A_191 = arith.constant 0 : i32
    %dma_start3A_192 = tpu.memref_slice %arg4[%add3A_184, %dma_start3A_190, %dma_start3A_191] : memref<6400x128x128xf32, #tpu.memory_space<hbm>> -> memref<1x128x128xf32, #tpu.memory_space<hbm>>
    %dma_start3A_193 = tpu.memref_squeeze %dma_start3A_192 : memref<1x128x128xf32, #tpu.memory_space<hbm>> -> memref<128x128xf32, #tpu.memory_space<hbm>>
    %dma_start3A_194 = arith.constant 0 : i32
    %dma_start3A_195 = arith.constant 0 : i32
    %dma_start3A_196 = tpu.memref_slice %arg4[%add3A_184, %dma_start3A_194, %dma_start3A_195] : memref<6400x128x128xf32, #tpu.memory_space<hbm>> -> memref<1x128x128xf32, #tpu.memory_space<hbm>>
    %dma_start3A_197 = tpu.memref_squeeze %dma_start3A_196 : memref<1x128x128xf32, #tpu.memory_space<hbm>> -> memref<128x128xf32, #tpu.memory_space<hbm>>
    %dma_start3A_198 = arith.constant 0 : i32
    %dma_start3A_199 = arith.constant 0 : i32
    %dma_start3A_200 = tpu.memref_slice %arg6[%dma_start3A_185, %dma_start3A_198, %dma_start3A_199] : memref<5x128x128xf32, #tpu.memory_space<vmem>> -> memref<1x128x128xf32, #tpu.memory_space<vmem>>
    %dma_start3A_201 = tpu.memref_squeeze %dma_start3A_200 : memref<1x128x128xf32, #tpu.memory_space<vmem>> -> memref<128x128xf32, #tpu.memory_space<vmem>>
    tpu.enqueue_dma source(%dma_start3A_201 : memref<128x128xf32, #tpu.memory_space<vmem>>) target(%dma_start3A_197 : memref<128x128xf32, #tpu.memory_space<hbm>>) target_semaphore(%arg15 : memref<!tpu.dma_semaphore, #tpu.memory_space<semaphore_mem>>)
    %dma_wait3A_202 = arith.constant 0 : i32
    %dma_wait3A_203 = arith.constant 4 : i32
    %dma_wait3A_204 = arith.constant 0 : i32
    %dma_wait3A_205 = arith.constant 0 : i32
    %dma_wait3A_206 = tpu.memref_slice %arg6[%dma_wait3A_203, %dma_wait3A_204, %dma_wait3A_205] : memref<5x128x128xf32, #tpu.memory_space<vmem>> -> memref<1x128x128xf32, #tpu.memory_space<vmem>>
    %dma_wait3A_207 = tpu.memref_squeeze %dma_wait3A_206 : memref<1x128x128xf32, #tpu.memory_space<vmem>> -> memref<128x128xf32, #tpu.memory_space<vmem>>
    %dma_wait3A_208 = arith.constant 0 : i32
    %dma_wait3A_209 = tpu.memref_slice %arg5[%dma_wait3A_202, %dma_wait3A_208] : memref<200x128xi32, #tpu.memory_space<vmem>> -> memref<1x128xi32, #tpu.memory_space<vmem>>
    %dma_wait3A_210 = tpu.memref_squeeze %dma_wait3A_209 : memref<1x128xi32, #tpu.memory_space<vmem>> -> memref<128xi32, #tpu.memory_space<vmem>>
    %dma_wait3A_211 = arith.constant 0 : i32
    %dma_wait3A_212 = arith.constant 0 : i32
    %dma_wait3A_213 = tpu.memref_slice %arg3[%dma_wait3A_211, %dma_wait3A_212] : memref<100000x128xf32, #tpu.memory_space<hbm>> -> memref<100000x128xf32, #tpu.memory_space<hbm>>
    tpu.wait_indirect_dma semaphore(%arg11 : memref<!tpu.dma_semaphore, #tpu.memory_space<semaphore_mem>>) src(%dma_wait3A_213 : memref<100000x128xf32, #tpu.memory_space<hbm>>) dst(%dma_wait3A_207 : memref<128x128xf32, #tpu.memory_space<vmem>>)
    %add3A_214 = arith.constant 199 : i32
    %add3A_215 = arith.addi %mul3A_2, %add3A_214 : i32
    %dma_start3A_216 = arith.constant 4 : i32
    %dma_start3A_217 = arith.constant 0 : i32
    %dma_start3A_218 = arith.constant 0 : i32
    %dma_start3A_219 = tpu.memref_slice %arg6[%dma_start3A_216, %dma_start3A_217, %dma_start3A_218] : memref<5x128x128xf32, #tpu.memory_space<vmem>> -> memref<1x128x128xf32, #tpu.memory_space<vmem>>
    %dma_start3A_220 = tpu.memref_squeeze %dma_start3A_219 : memref<1x128x128xf32, #tpu.memory_space<vmem>> -> memref<128x128xf32, #tpu.memory_space<vmem>>
    %dma_start3A_221 = arith.constant 0 : i32
    %dma_start3A_222 = arith.constant 0 : i32
    %dma_start3A_223 = tpu.memref_slice %arg4[%add3A_215, %dma_start3A_221, %dma_start3A_222] : memref<6400x128x128xf32, #tpu.memory_space<hbm>> -> memref<1x128x128xf32, #tpu.memory_space<hbm>>
    %dma_start3A_224 = tpu.memref_squeeze %dma_start3A_223 : memref<1x128x128xf32, #tpu.memory_space<hbm>> -> memref<128x128xf32, #tpu.memory_space<hbm>>
    %dma_start3A_225 = arith.constant 0 : i32
    %dma_start3A_226 = arith.constant 0 : i32
    %dma_start3A_227 = tpu.memref_slice %arg4[%add3A_215, %dma_start3A_225, %dma_start3A_226] : memref<6400x128x128xf32, #tpu.memory_space<hbm>> -> memref<1x128x128xf32, #tpu.memory_space<hbm>>
    %dma_start3A_228 = tpu.memref_squeeze %dma_start3A_227 : memref<1x128x128xf32, #tpu.memory_space<hbm>> -> memref<128x128xf32, #tpu.memory_space<hbm>>
    %dma_start3A_229 = arith.constant 0 : i32
    %dma_start3A_230 = arith.constant 0 : i32
    %dma_start3A_231 = tpu.memref_slice %arg6[%dma_start3A_216, %dma_start3A_229, %dma_start3A_230] : memref<5x128x128xf32, #tpu.memory_space<vmem>> -> memref<1x128x128xf32, #tpu.memory_space<vmem>>
    %dma_start3A_232 = tpu.memref_squeeze %dma_start3A_231 : memref<1x128x128xf32, #tpu.memory_space<vmem>> -> memref<128x128xf32, #tpu.memory_space<vmem>>
    tpu.enqueue_dma source(%dma_start3A_232 : memref<128x128xf32, #tpu.memory_space<vmem>>) target(%dma_start3A_228 : memref<128x128xf32, #tpu.memory_space<hbm>>) target_semaphore(%arg16 : memref<!tpu.dma_semaphore, #tpu.memory_space<semaphore_mem>>)
    %dma_wait3A_233 = arith.constant 0 : i32
    %dma_wait3A_234 = arith.constant 0 : i32
    %dma_wait3A_235 = arith.constant 0 : i32
    %dma_wait3A_236 = tpu.memref_slice %arg6[%dma_wait3A_233, %dma_wait3A_234, %dma_wait3A_235] : memref<5x128x128xf32, #tpu.memory_space<vmem>> -> memref<1x128x128xf32, #tpu.memory_space<vmem>>
    %dma_wait3A_237 = tpu.memref_squeeze %dma_wait3A_236 : memref<1x128x128xf32, #tpu.memory_space<vmem>> -> memref<128x128xf32, #tpu.memory_space<vmem>>
    %dma_wait3A_238 = arith.constant 0 : i32
    %dma_wait3A_239 = arith.constant 0 : i32
    %dma_wait3A_240 = tpu.memref_slice %arg4[%mul3A_2, %dma_wait3A_238, %dma_wait3A_239] : memref<6400x128x128xf32, #tpu.memory_space<hbm>> -> memref<1x128x128xf32, #tpu.memory_space<hbm>>
    %dma_wait3A_241 = tpu.memref_squeeze %dma_wait3A_240 : memref<1x128x128xf32, #tpu.memory_space<hbm>> -> memref<128x128xf32, #tpu.memory_space<hbm>>
    %dma_wait3A_242 = arith.constant 0 : i32
    %dma_wait3A_243 = arith.constant 0 : i32
    %dma_wait3A_244 = tpu.memref_slice %arg4[%mul3A_2, %dma_wait3A_242, %dma_wait3A_243] : memref<6400x128x128xf32, #tpu.memory_space<hbm>> -> memref<1x128x128xf32, #tpu.memory_space<hbm>>
    %dma_wait3A_245 = tpu.memref_squeeze %dma_wait3A_244 : memref<1x128x128xf32, #tpu.memory_space<hbm>> -> memref<128x128xf32, #tpu.memory_space<hbm>>
    %dma_wait3A_246 = arith.constant 0 : i32
    %dma_wait3A_247 = arith.constant 0 : i32
    %dma_wait3A_248 = tpu.memref_slice %arg6[%dma_wait3A_233, %dma_wait3A_246, %dma_wait3A_247] : memref<5x128x128xf32, #tpu.memory_space<vmem>> -> memref<1x128x128xf32, #tpu.memory_space<vmem>>
    %dma_wait3A_249 = tpu.memref_squeeze %dma_wait3A_248 : memref<1x128x128xf32, #tpu.memory_space<vmem>> -> memref<128x128xf32, #tpu.memory_space<vmem>>
    tpu.wait_dma2 semaphore(%arg12 : memref<!tpu.dma_semaphore, #tpu.memory_space<semaphore_mem>>) src(%dma_wait3A_249 : memref<128x128xf32, #tpu.memory_space<vmem>>) dst(%dma_wait3A_245 : memref<128x128xf32, #tpu.memory_space<hbm>>)
    %dma_wait3A_250 = arith.constant 1 : i32
    %dma_wait3A_251 = arith.constant 0 : i32
    %dma_wait3A_252 = arith.constant 0 : i32
    %dma_wait3A_253 = tpu.memref_slice %arg6[%dma_wait3A_250, %dma_wait3A_251, %dma_wait3A_252] : memref<5x128x128xf32, #tpu.memory_space<vmem>> -> memref<1x128x128xf32, #tpu.memory_space<vmem>>
    %dma_wait3A_254 = tpu.memref_squeeze %dma_wait3A_253 : memref<1x128x128xf32, #tpu.memory_space<vmem>> -> memref<128x128xf32, #tpu.memory_space<vmem>>
    %dma_wait3A_255 = arith.constant 0 : i32
    %dma_wait3A_256 = arith.constant 0 : i32
    %dma_wait3A_257 = tpu.memref_slice %arg4[%mul3A_2, %dma_wait3A_255, %dma_wait3A_256] : memref<6400x128x128xf32, #tpu.memory_space<hbm>> -> memref<1x128x128xf32, #tpu.memory_space<hbm>>
    %dma_wait3A_258 = tpu.memref_squeeze %dma_wait3A_257 : memref<1x128x128xf32, #tpu.memory_space<hbm>> -> memref<128x128xf32, #tpu.memory_space<hbm>>
    %dma_wait3A_259 = arith.constant 0 : i32
    %dma_wait3A_260 = arith.constant 0 : i32
    %dma_wait3A_261 = tpu.memref_slice %arg4[%mul3A_2, %dma_wait3A_259, %dma_wait3A_260] : memref<6400x128x128xf32, #tpu.memory_space<hbm>> -> memref<1x128x128xf32, #tpu.memory_space<hbm>>
    %dma_wait3A_262 = tpu.memref_squeeze %dma_wait3A_261 : memref<1x128x128xf32, #tpu.memory_space<hbm>> -> memref<128x128xf32, #tpu.memory_space<hbm>>
    %dma_wait3A_263 = arith.constant 0 : i32
    %dma_wait3A_264 = arith.constant 0 : i32
    %dma_wait3A_265 = tpu.memref_slice %arg6[%dma_wait3A_250, %dma_wait3A_263, %dma_wait3A_264] : memref<5x128x128xf32, #tpu.memory_space<vmem>> -> memref<1x128x128xf32, #tpu.memory_space<vmem>>
    %dma_wait3A_266 = tpu.memref_squeeze %dma_wait3A_265 : memref<1x128x128xf32, #tpu.memory_space<vmem>> -> memref<128x128xf32, #tpu.memory_space<vmem>>
    tpu.wait_dma2 semaphore(%arg13 : memref<!tpu.dma_semaphore, #tpu.memory_space<semaphore_mem>>) src(%dma_wait3A_266 : memref<128x128xf32, #tpu.memory_space<vmem>>) dst(%dma_wait3A_262 : memref<128x128xf32, #tpu.memory_space<hbm>>)
    %dma_wait3A_267 = arith.constant 2 : i32
    %dma_wait3A_268 = arith.constant 0 : i32
    %dma_wait3A_269 = arith.constant 0 : i32
    %dma_wait3A_270 = tpu.memref_slice %arg6[%dma_wait3A_267, %dma_wait3A_268, %dma_wait3A_269] : memref<5x128x128xf32, #tpu.memory_space<vmem>> -> memref<1x128x128xf32, #tpu.memory_space<vmem>>
    %dma_wait3A_271 = tpu.memref_squeeze %dma_wait3A_270 : memref<1x128x128xf32, #tpu.memory_space<vmem>> -> memref<128x128xf32, #tpu.memory_space<vmem>>
    %dma_wait3A_272 = arith.constant 0 : i32
    %dma_wait3A_273 = arith.constant 0 : i32
    %dma_wait3A_274 = tpu.memref_slice %arg4[%mul3A_2, %dma_wait3A_272, %dma_wait3A_273] : memref<6400x128x128xf32, #tpu.memory_space<hbm>> -> memref<1x128x128xf32, #tpu.memory_space<hbm>>
    %dma_wait3A_275 = tpu.memref_squeeze %dma_wait3A_274 : memref<1x128x128xf32, #tpu.memory_space<hbm>> -> memref<128x128xf32, #tpu.memory_space<hbm>>
    %dma_wait3A_276 = arith.constant 0 : i32
    %dma_wait3A_277 = arith.constant 0 : i32
    %dma_wait3A_278 = tpu.memref_slice %arg4[%mul3A_2, %dma_wait3A_276, %dma_wait3A_277] : memref<6400x128x128xf32, #tpu.memory_space<hbm>> -> memref<1x128x128xf32, #tpu.memory_space<hbm>>
    %dma_wait3A_279 = tpu.memref_squeeze %dma_wait3A_278 : memref<1x128x128xf32, #tpu.memory_space<hbm>> -> memref<128x128xf32, #tpu.memory_space<hbm>>
    %dma_wait3A_280 = arith.constant 0 : i32
    %dma_wait3A_281 = arith.constant 0 : i32
    %dma_wait3A_282 = tpu.memref_slice %arg6[%dma_wait3A_267, %dma_wait3A_280, %dma_wait3A_281] : memref<5x128x128xf32, #tpu.memory_space<vmem>> -> memref<1x128x128xf32, #tpu.memory_space<vmem>>
    %dma_wait3A_283 = tpu.memref_squeeze %dma_wait3A_282 : memref<1x128x128xf32, #tpu.memory_space<vmem>> -> memref<128x128xf32, #tpu.memory_space<vmem>>
    tpu.wait_dma2 semaphore(%arg14 : memref<!tpu.dma_semaphore, #tpu.memory_space<semaphore_mem>>) src(%dma_wait3A_283 : memref<128x128xf32, #tpu.memory_space<vmem>>) dst(%dma_wait3A_279 : memref<128x128xf32, #tpu.memory_space<hbm>>)
    %dma_wait3A_284 = arith.constant 3 : i32
    %dma_wait3A_285 = arith.constant 0 : i32
    %dma_wait3A_286 = arith.constant 0 : i32
    %dma_wait3A_287 = tpu.memref_slice %arg6[%dma_wait3A_284, %dma_wait3A_285, %dma_wait3A_286] : memref<5x128x128xf32, #tpu.memory_space<vmem>> -> memref<1x128x128xf32, #tpu.memory_space<vmem>>
    %dma_wait3A_288 = tpu.memref_squeeze %dma_wait3A_287 : memref<1x128x128xf32, #tpu.memory_space<vmem>> -> memref<128x128xf32, #tpu.memory_space<vmem>>
    %dma_wait3A_289 = arith.constant 0 : i32
    %dma_wait3A_290 = arith.constant 0 : i32
    %dma_wait3A_291 = tpu.memref_slice %arg4[%mul3A_2, %dma_wait3A_289, %dma_wait3A_290] : memref<6400x128x128xf32, #tpu.memory_space<hbm>> -> memref<1x128x128xf32, #tpu.memory_space<hbm>>
    %dma_wait3A_292 = tpu.memref_squeeze %dma_wait3A_291 : memref<1x128x128xf32, #tpu.memory_space<hbm>> -> memref<128x128xf32, #tpu.memory_space<hbm>>
    %dma_wait3A_293 = arith.constant 0 : i32
    %dma_wait3A_294 = arith.constant 0 : i32
    %dma_wait3A_295 = tpu.memref_slice %arg4[%mul3A_2, %dma_wait3A_293, %dma_wait3A_294] : memref<6400x128x128xf32, #tpu.memory_space<hbm>> -> memref<1x128x128xf32, #tpu.memory_space<hbm>>
    %dma_wait3A_296 = tpu.memref_squeeze %dma_wait3A_295 : memref<1x128x128xf32, #tpu.memory_space<hbm>> -> memref<128x128xf32, #tpu.memory_space<hbm>>
    %dma_wait3A_297 = arith.constant 0 : i32
    %dma_wait3A_298 = arith.constant 0 : i32
    %dma_wait3A_299 = tpu.memref_slice %arg6[%dma_wait3A_284, %dma_wait3A_297, %dma_wait3A_298] : memref<5x128x128xf32, #tpu.memory_space<vmem>> -> memref<1x128x128xf32, #tpu.memory_space<vmem>>
    %dma_wait3A_300 = tpu.memref_squeeze %dma_wait3A_299 : memref<1x128x128xf32, #tpu.memory_space<vmem>> -> memref<128x128xf32, #tpu.memory_space<vmem>>
    tpu.wait_dma2 semaphore(%arg15 : memref<!tpu.dma_semaphore, #tpu.memory_space<semaphore_mem>>) src(%dma_wait3A_300 : memref<128x128xf32, #tpu.memory_space<vmem>>) dst(%dma_wait3A_296 : memref<128x128xf32, #tpu.memory_space<hbm>>)
    %dma_wait3A_301 = arith.constant 4 : i32
    %dma_wait3A_302 = arith.constant 0 : i32
    %dma_wait3A_303 = arith.constant 0 : i32
    %dma_wait3A_304 = tpu.memref_slice %arg6[%dma_wait3A_301, %dma_wait3A_302, %dma_wait3A_303] : memref<5x128x128xf32, #tpu.memory_space<vmem>> -> memref<1x128x128xf32, #tpu.memory_space<vmem>>
    %dma_wait3A_305 = tpu.memref_squeeze %dma_wait3A_304 : memref<1x128x128xf32, #tpu.memory_space<vmem>> -> memref<128x128xf32, #tpu.memory_space<vmem>>
    %dma_wait3A_306 = arith.constant 0 : i32
    %dma_wait3A_307 = arith.constant 0 : i32
    %dma_wait3A_308 = tpu.memref_slice %arg4[%mul3A_2, %dma_wait3A_306, %dma_wait3A_307] : memref<6400x128x128xf32, #tpu.memory_space<hbm>> -> memref<1x128x128xf32, #tpu.memory_space<hbm>>
    %dma_wait3A_309 = tpu.memref_squeeze %dma_wait3A_308 : memref<1x128x128xf32, #tpu.memory_space<hbm>> -> memref<128x128xf32, #tpu.memory_space<hbm>>
    %dma_wait3A_310 = arith.constant 0 : i32
    %dma_wait3A_311 = arith.constant 0 : i32
    %dma_wait3A_312 = tpu.memref_slice %arg4[%mul3A_2, %dma_wait3A_310, %dma_wait3A_311] : memref<6400x128x128xf32, #tpu.memory_space<hbm>> -> memref<1x128x128xf32, #tpu.memory_space<hbm>>
    %dma_wait3A_313 = tpu.memref_squeeze %dma_wait3A_312 : memref<1x128x128xf32, #tpu.memory_space<hbm>> -> memref<128x128xf32, #tpu.memory_space<hbm>>
    %dma_wait3A_314 = arith.constant 0 : i32
    %dma_wait3A_315 = arith.constant 0 : i32
    %dma_wait3A_316 = tpu.memref_slice %arg6[%dma_wait3A_301, %dma_wait3A_314, %dma_wait3A_315] : memref<5x128x128xf32, #tpu.memory_space<vmem>> -> memref<1x128x128xf32, #tpu.memory_space<vmem>>
    %dma_wait3A_317 = tpu.memref_squeeze %dma_wait3A_316 : memref<1x128x128xf32, #tpu.memory_space<vmem>> -> memref<128x128xf32, #tpu.memory_space<vmem>>
    tpu.wait_dma2 semaphore(%arg16 : memref<!tpu.dma_semaphore, #tpu.memory_space<semaphore_mem>>) src(%dma_wait3A_317 : memref<128x128xf32, #tpu.memory_space<vmem>>) dst(%dma_wait3A_313 : memref<128x128xf32, #tpu.memory_space<hbm>>)
    return
  }
}

</mosaic_0001>

<sc_bundles>
// kernel: kernel.3.cloned.1.call-start
scs
__scs_entry_jumppad:
0x0: {  	(pc) =	sbr.rel $0x88, $3  }
0x1: {  	(tag) =	ssettag $0x0;
	lr =	simm.s32 $0x1  }
0x2: {  	[smem:$0x3F9F] =	sst lr;
	_ =	strace $0xD0000000  }
0x3: {  	_ = 	snop  }
0x4: {  	_ = 	snop  }
0x5: {  	_ = 	snop  }
0x6: {  	_ = 	snop  }
0x7: {  	_ = 	snop  }
__scs_overlays_trampoline_lowered:
0x8: {  	[smem:$0x3FAE] =	sst s0  }
0x9: {  	[smem:$0x3FAF] =	sst s1  }
0xa: {  	[smem:$0x3FB0] =	sst s2  }
0xb: {  	[smem:$0x3FB1] =	sst s3  }
0xc: {  	[smem:$0x3FB2] =	sst s4  }
0xd: {  	[smem:$0x3FB3] =	sst s5  }
0xe: {  	[smem:$0x3FB4] =	sst s6  }
0xf: {  	[smem:$0x3FB5] =	sst s7  }
0x10: {  	[smem:$0x3FB6] =	sst s8  }
0x11: {  	[smem:$0x3FB7] =	sst s9;
	s0 =	simm.s32 @!p0 $0x0  }
0x12: {  	s1 =	sld [smem:$0x3F9D];
	s0 =	simm.s32 @p0 $0x1  }
0x13: {  	[smem:$0x3FB8] =	sst s0;
	s0 =	simm.s32 @!p1 $0x0  }
0x14: {  	s2 =	sld [smem:$0x3F9C];
	s0 =	simm.s32 @p1 $0x1  }
0x15: {  	[smem:$0x3FB9] =	sst s0;
	s0 =	simm.s32 @!p2 $0x0  }
0x16: {  	s3 =	sld [smem:$0x3FDB];
	s0 =	simm.s32 @p2 $0x1  }
0x17: {  	s4 =	simm.s32 $0x1BF5;
	[smem:$0x3FBB] =	sst s0  }
0x18: {  	s0 =	sld [smem:$0x3F9E];
	_ =	swait.ge [sflag:s4], $0x0  }
0x19: {  	s7 =	sld [smem:$0x3F9F]  }
0x1a: {  	s8 =	sadd.s32 $0xFFFFE003, lr  }
0x1b: {  	s9 =	sadd.s32 $0xFFFFFEF7, lr;
	s5 =	simm.s32 $0xFFFFFFFF;
	p2 =	slt.u32 s8, $0xFFFFF086  }
0x1c: {  	p1 =	slt.u32 s9, $0xF7A;
	s5 =	simm.s32 @!p2 $0x0  }
0x1d: {  	s5 =	simm.s32 @p1 $0x1;
	p0 =	seq.s32 s7, s2  }
0x1e: {  	s7 =	smul.u32 @!p0 $0xF7A, s2;
	p2 =	seq.s32 @!p0 s5, $0x0  }
0x1f: {  	s9 =	smul.u32 $0xF7A, s1;
	s8 =	simm.s32 @!p0 $0x1BF5;
	p2 =	por !p2, p0  }
0x20: {  	[sflag:s8] =	ssyncset.s32 @!p0 $0xFFFFF086;
	s6 =	sadd.s32 @!p0 s3, s7;
	s7 =	simm.s32 @!p0 $0x108  }
0x21: {  	s3 =	sadd.s32 s3, s9;
	s6 =	sadd.s32 @!p0 $0x88, s6;
	s7 =	simm.s32 @p2 $0x1082  }
0x22: {  	[simem:s7], [sflag:s8] =	dma.local @!p0 [hbm:s6], $0xF7A  }
0x23: {  	s9 =	sor.u32 $0xD0000000, s2;
	s6 =	simm.s32 $0x108;
	_ =	swait.ge @!p0 [sflag:s8], $0x0  }
0x24: {  	s3 =	sadd.s32 $0x88, s3;
	s6 =	simm.s32 @!p1 $0x1082;
	[sflag:s4] =	ssyncset.s32 $0xFFFFF086  }
0x25: {  	[simem:s6], [sflag:s4] =	dma.local [hbm:s3], $0xF7A  }
0x26: {  	[smem:$0x3F9F] =	sst s1;
	(tag) =	ssettag s2;
	_ =	strace s9  }
0x27: {  	s1 =	sld [smem:$0x3FAF]  }
0x28: {  	s2 =	sld [smem:$0x3FB0]  }
0x29: {  	s4 =	sld [smem:$0x3FB2]  }
0x2a: {  	p0 =	seq.s32 s5, $0x0;
	s5 =	sld [smem:$0x3FB3]  }
0x2b: {  	s6 =	sld [smem:$0x3FB4]  }
0x2c: {  	s7 =	sld [smem:$0x3FB5]  }
0x2d: {  	s3 =	simm.s32 $0x108;
	s8 =	sld [smem:$0x3FB6]  }
0x2e: {  	s3 =	simm.s32 @!p0 $0x1082;
	s9 =	sld [smem:$0x3FB7]  }
0x2f: {  	lr =	sadd.s32 s0, s3;
	s0 =	sld [smem:$0x3FAE]  }
0x30: {  	s3 =	sld [smem:$0x3FB1]  }
0x31: {  	[smem:$0x3FBA] =	sst s10  }
0x32: {  	s10 =	sld [smem:$0x3FB8];
	_ =	sdelay $0x3  }
0x33: {  	p0 =	seq.s32 s10, $0x1;
	s10 =	sld [smem:$0x3FBA];
	_ =	sdelay $0x3  }
0x34: {  	[smem:$0x3FBA] =	sst s10  }
0x35: {  	s10 =	sld [smem:$0x3FB9];
	_ =	sdelay $0x3  }
0x36: {  	p1 =	seq.s32 s10, $0x1;
	s10 =	sld [smem:$0x3FBA];
	_ =	sdelay $0x3  }
0x37: {  	[smem:$0x3FBA] =	sst s10  }
0x38: {  	s10 =	sld [smem:$0x3FBB]  }
0x39: {  	_ = 	snop;
	(pc) =	sbr.ind lr, $3  }
0x3a: {  	_ = 	snop  }
0x3b: {  	_ = 	snop  }
0x3c: {  	p2 =	seq.s32 s10, $0x1;
	s10 =	sld [smem:$0x3FBA]  }
0x3d: {  	_ =	shalt  }
0x3e: {  	_ =	shalt  }
0x3f: {  	_ =	shalt  }
0x40: {  	_ =	shalt  }
0x41: {  	_ =	shalt  }
0x42: {  	_ =	shalt  }
0x43: {  	_ =	shalt  }
0x44: {  	_ =	shalt  }
0x45: {  	_ =	shalt  }
0x46: {  	_ =	shalt  }
0x47: {  	_ =	shalt  }
0x48: {  	_ =	shalt  }
0x49: {  	_ =	shalt  }
0x4a: {  	_ =	shalt  }
0x4b: {  	_ =	shalt  }
0x4c: {  	_ =	shalt  }
0x4d: {  	_ =	shalt  }
0x4e: {  	_ =	shalt  }
0x4f: {  	_ =	shalt  }
0x50: {  	_ =	shalt  }
0x51: {  	_ =	shalt  }
0x52: {  	_ =	shalt  }
0x53: {  	_ =	shalt  }
0x54: {  	_ =	shalt  }
0x55: {  	_ =	shalt  }
0x56: {  	_ =	shalt  }
0x57: {  	_ =	shalt  }
0x58: {  	_ =	shalt  }
0x59: {  	_ =	shalt  }
0x5a: {  	_ =	shalt  }
0x5b: {  	_ =	shalt  }
0x5c: {  	_ =	shalt  }
0x5d: {  	_ =	shalt  }
0x5e: {  	_ =	shalt  }
0x5f: {  	_ =	shalt  }
0x60: {  	_ =	shalt  }
0x61: {  	_ =	shalt  }
0x62: {  	_ =	shalt  }
0x63: {  	_ =	shalt  }
0x64: {  	_ =	shalt  }
0x65: {  	_ =	shalt  }
0x66: {  	_ =	shalt  }
0x67: {  	_ =	shalt  }
0x68: {  	_ =	shalt  }
0x69: {  	_ =	shalt  }
0x6a: {  	_ =	shalt  }
0x6b: {  	_ =	shalt  }
0x6c: {  	_ =	shalt  }
0x6d: {  	_ =	shalt  }
0x6e: {  	_ =	shalt  }
0x6f: {  	_ =	shalt  }
0x70: {  	_ =	shalt  }
0x71: {  	_ =	shalt  }
0x72: {  	_ =	shalt  }
0x73: {  	_ =	shalt  }
0x74: {  	_ =	shalt  }
0x75: {  	_ =	shalt  }
0x76: {  	_ =	shalt  }
0x77: {  	_ =	shalt  }
0x78: {  	_ =	shalt  }
0x79: {  	_ =	shalt  }
0x7a: {  	_ =	shalt  }
0x7b: {  	_ =	shalt  }
0x7c: {  	_ =	shalt  }
0x7d: {  	_ =	shalt  }
0x7e: {  	_ =	shalt  }
0x7f: {  	_ =	shalt  }
0x80: {  	_ =	shalt  }
0x81: {  	_ =	shalt  }
0x82: {  	_ =	shalt  }
0x83: {  	_ =	shalt  }
0x84: {  	_ =	shalt  }
0x85: {  	_ =	shalt  }
0x86: {  	_ =	shalt  }
0x87: {  	_ =	shalt  }
.Lfunc_end0:
.L_simem_size_0:
called_computation_lowered:
.L_overlay_start_0:
0x88: {  	s2 =	sld [smem:$0x3FD9]  }
0x89: {  	s3 =	sld [smem:$0x3FFE];
	_ =	sdelay $0x1  }
0x8a: {  	s1 =	srdreg.scid  }
0x8b: {  	s0 =	sand.u32 $0x1, s1  }
0x8c: {  	s17 =	sshll.u32 s0, $0xA;
	s2 =	sadd.s32 s3, s2  }
0x8d: {  	s2 =	sadd.s32 s2, s17  }
0x8e: {  	[smem:$0x3FC6] =	sst s2  }
0x8f: {  	_ = 	snop  }
0x90: {  	s2 =	sld [smem:$0x3FC8]  }
0x91: {  	s18 =	sld [smem:$0x3FD0];
	(tm) =	ssettm $0x1  }
0x92: {  	s4 =	sld [smem:$0x3FFB];
	_ =	sdelay $0x3  }
0x93: {  	_ =	strace s4  }
0x94: {  	s4 =	sld [smem:$0x3FFC];
	_ =	sdelay $0x3  }
0x95: {  	_ =	strace s4  }
0x96: {  	s4 =	sld [smem:$0x3FFD];
	_ =	sdelay $0x3  }
0x97: {  	_ =	strace s4  }
0x98: {  	_ =	strace $0x8FFFFFFF  }
0x99: {  	s19 =	sld [smem:$0x3FDB];
	_ =	sdelay $0x1  }
0x9a: {  	s5 =	simm.s32 $_scs_section_size  }
0x9b: {  	s6 =	simm.s32 $_size__tile_overlayer_lowered;
	s7 =	simm.s32 $_tile_overlayer_lowered  }
0x9c: {  	s22 =	simm.s32 $0x1BFF;
	s21 =	sshll.u32 s7, $0x1;
	s4 =	sadd.s32 s5, s19  }
0x9d: {  	s8 =	simm.s32 $0x0;
	s20 =	sshll.u32 s6, $0x1;
	s6 =	sadd.s32 s21, s4  }
0x9e: {  	[timem:s8], [sflag:s22] =	dma.local [hbm:s6], s20  }
0x9f: {  	_ =	swait.ge [sflag:s22], s20  }
0xa0: {  	s5 =	ssub.s32 $0x0, s20;
	[sflag:s22] =	ssyncset.done $0x0  }
0xa1: {  	[sflag:s22] =	ssyncadd.s32 s5;
	_ =	sdelay $0x1  }
0xa2: {  	s23 =	simm.s32 $0x1B8B  }
0xa3: {  	_ =	swait.ge [sflag:s23], $0x1  }
0xa4: {  	[sflag:s23] =	ssyncset.done $0x0  }
0xa5: {  	s25 =	simm.s32 $0x1B8E;
	s24 =	sld [smem:$0x3FFE];
	[sflag:s23] =	ssyncadd.s32 $0xFFFFFFFF  }
0xa6: {  	s26 =	simm.s32 $execute0_lowered;
	[smem:$0x3FD2] =	sst s25  }
0xa7: {  	s6 =	sshll.u32 s26, $0x1;
	_ =	strace $0x80000046;
	[dreg:$0x1] =	wrdreg $0xFFFFFFFF  }
0xa8: {  	s28 =	simm.s32 $_size_execute0_lowered;
	s4 =	sadd.s32 s4, s6;
	[dreg:$0x0] =	wrdreg $0x0  }
0xa9: {  	s6 =	sshll.u32 s28, $0x1;
	[dreg:$0x2] =	wrdreg s4  }
0xaa: {  	[dreg:$0x3] =	wrdreg s6  }
0xab: {  	[dreg:$0x4] =	wrdreg $0xC0  }
0xac: {  	_ =	task [dreg:s8], $0x5FFFF  }
0xad: {  	[dreg:$0x1] =	wrdreg $0xFFFFFFFF  }
0xae: {  	[dreg:$0x0] =	wrdreg $0x60  }
0xaf: {  	[dreg:$0x2] =	wrdreg s24  }
0xb0: {  	[dreg:$0x3] =	wrdreg s2  }
0xb1: {  	[dreg:$0x4] =	wrdreg s18  }
0xb2: {  	[dreg:$0x5] =	wrdreg $0x9  }
0xb3: {  	_ =	task.clear_ibuf [dreg:s8], $0x6FFFF;
	_ =	strace $0x90000046  }
0xb4: {  	s29 =	simm.s32 $0x9;
	_ =	strace $0x80000048  }
0xb5: {  	_ =	swait.ge [sflag:s29], $0x1  }
0xb6: {  	[sflag:s29] =	ssyncadd.s32 $0xFFFFFFFF  }
0xb7: {  	_ =	strace $0x90000048  }
0xb8: {  	_ =	sfence  }
0xb9: {  	s30 =	sld [smem:$0x0];
	_ =	sdelay $0x2  }
0xba: {  	s31 =	sshll.u32 s1, $0xD;
	s1 =	sshrl.u32 s1, $0x2  }
0xbb: {  	s3 =	sand.u32 $0x4000, s31;
	s1 =	sadd.s32 s1, s30  }
0xbc: {  	s0 =	sor.u32 s3, s0;
	s1 =	sshll.u32 s1, $0x11  }
0xbd: {  	s0 =	sor.u32 s1, s0  }
0xbe: {  	s0 =	sadd.s32 $0x8F2B, s0  }
0xbf: {  	[sflag:s0] =	ssyncadd.remote.s32 $0x1  }
0xc0: {  	_ =	sfence.sel $0xFFFF  }
0xc1: {  	[dreg:$0x0] =	wrdreg $0xFFFFFFFF;
	(pc) =	sbr.abs _section_cstart, $3  }
0xc2: {  	[dreg:$0x1] =	wrdreg $0xFFFFFFFF  }
0xc3: {  	_ =	task.clear_ibuf [dreg:s8], $0x2FFFF;
	_ =	strace $0x9FFFFFFF  }
0xc4: {  	(tm) =	ssettm $0x7FFFFFFF  }
0xc5: {  	_ =	shalt  }
tec
execute0_lowered:
.L_overlay_start_1:
0x0: {  	(tag) =	ssettag $0x1  }
0x1: {  	s0 =	rddreg [dreg:$0x0];
	s1 =	srdreg.scid  }
0x2: {  	s8 =	stileid.u32;
	s2 =	rddreg [dreg:$0x1]  }
0x3: {  	s9 =	rddreg [dreg:$0x2];
	s12 =	simm.s32 $0xB;
	s13 =	simm.s32 $0x80  }
0x4: {  	s14 =	simm.s32 $0x6400;
	s15 =	simm.s32 $0xA400;
	s17 =	simm.s32 $0xE400  }
0x5: {  	s19 =	simm.s32 $0x12400;
	s21 =	simm.s32 $0x16400;
	s22 =	simm.s32 $0x1  }
0x6: {  	s23 =	simm.s32 $0x6;
	s28 =	simm.s32 $0x8;
	s29 =	simm.s32 $0x4  }
0x7: {  	s1 =	sand.u32 $0x1, s1;
	s3 =	sshll.u32 s8, $0x1;
	s8 =	smul.u32 $0x190, s8  }
0x8: {  	s4 =	sor.u32 s1, s3;
	s7 =	ssub.s32 $0x2, s1;
	s1 =	smul.u32 $0xC8, s1  }
0x9: {  	s30 =	simm.s32 $0x9;
	s3 =	simm.s32 $0x0;
	s5 =	smul.u32 $0xC80, s4  }
0xa: {  	s31 =	simm.s32 $0x5;
	[smem:$0x7FF] =	sst s3;
	s6 =	smul.u32 $0x320000, s4  }
0xb: {  	s24 =	sshrl.u32 s7, $0x1;
	s25 =	smul.u32 $0x64000, s4;
	_ =	strace $0x80000047  }
0xc: {  	s10 =	ssub.s32 s7, s24;
	s1 =	sadd.s32 s1, s8;
	s24 =	simm.s32 $0x2  }
0xd: {  	s0 =	sadd.s32 s5, s0;
	s6 =	sshrl.u32 s6, $0x3;
	s5 =	sadd.s32 s9, s25  }
0xe: {  	s1 =	sshll.u32 s1, $0xB;
	s10 =	smax.u32 s10, $0x1;
	s25 =	simm.s32 $0x7  }
0xf: {  	s0 =	sadd.s32 $0x400, s0;
	s26 =	sadd.s32 s9, s6;
	s1 =	sadd.s32 s1, s9  }
0x10: {  	[dreg:$0x4] =	wrdreg s0;
	s6 =	sadd.s32 $0x62000, s26;
	s7 =	sadd.s32 $0x62800, s26  }
0x11: {  	s8 =	sadd.s32 $0x63000, s26;
	s9 =	sadd.s32 $0x63800, s26;
	s11 =	sadd.s32 $0x1800, s1  }
0x12: {  	s26 =	simm.s32 $0x3;
	s1 =	simm.s32 $0xA;
	s0 =	simm.s32 $0x0  }
.LBB2_1:
0x13: {  	s4 =	rddreg [dreg:$0x4]  }
0x14: {  	[tilespmem:s3], [sflag:$0xB] =	stream.linear.gather [hbm4b:s4+s3], $0x6400, $0x38;
	[tilespmem:$0x1A400] =	vst v63  }
0x15: {  	_ =	swait.ge [sflag:s12], $0x6400  }
0x16: {  	[sflag:s12] =	ssyncset.done $0x0  }
0x17: {  	[sflag:s12] =	ssyncadd.s32 $0xFFFF9C00  }
0x18: {  	[tilespmem:s14], [sflag:$0x1] =	stream.indirect.gather [hbm4b:s2+s13], $0x80, s3, s13, $0xb8;
	[tilespmem:$0x1A400] =	vst v63  }
0x19: {  	_ = 	snop  }
0x1a: {  	[tilespmem:s15], [sflag:$0x2] =	stream.indirect.gather [hbm4b:s2+s13], $0x80, s13, s13, $0xb8;
	[tilespmem:$0x1A400] =	vst v63  }
0x1b: {  	s20 =	simm.s32 $0x100  }
0x1c: {  	[tilespmem:s17], [sflag:$0x3] =	stream.indirect.gather [hbm4b:s2+s13], $0x80, s20, s13, $0xb8;
	[tilespmem:$0x1A400] =	vst v63  }
0x1d: {  	s16 =	simm.s32 $0x180  }
0x1e: {  	[tilespmem:s19], [sflag:$0x4] =	stream.indirect.gather [hbm4b:s2+s13], $0x80, s16, s13, $0xb8;
	[tilespmem:$0x1A400] =	vst v63  }
0x1f: {  	s18 =	simm.s32 $0x200  }
0x20: {  	[tilespmem:s21], [sflag:$0x5] =	stream.indirect.gather [hbm4b:s2+s13], $0x80, s18, s13, $0xb8;
	[tilespmem:$0x1A400] =	vst v63  }
0x21: {  	_ =	swait.ge [sflag:s22], $0x4000  }
0x22: {  	[sflag:s22] =	ssyncset.done $0x0  }
0x23: {  	[sflag:s22] =	ssyncadd.s32 $0xFFFFC000  }
0x24: {  	[hbm4b:s5+s3] =	stream.linear.scatter [tilespmem:s14], [sflag:$0x6], $0x4000, $0x38;
	[tilespmem:$0x1A400] =	vst v63  }
0x25: {  	_ =	swait.ge [sflag:s23], $0x4000  }
0x26: {  	[sflag:s23] =	ssyncset.done $0x0  }
0x27: {  	s16 =	simm.s32 $0x280;
	[sflag:s23] =	ssyncadd.s32 $0xFFFFC000  }
0x28: {  	[tilespmem:s14], [sflag:$0x1] =	stream.indirect.gather [hbm4b:s2+s13], $0x80, s16, s13, $0xb8;
	[tilespmem:$0x1A400] =	vst v63  }
0x29: {  	_ =	swait.ge [sflag:s24], $0x4000  }
0x2a: {  	[sflag:s24] =	ssyncset.done $0x0  }
0x2b: {  	s20 =	sadd.s32 $0xFFFFF000, s11;
	[sflag:s24] =	ssyncadd.s32 $0xFFFFC000  }
0x2c: {  	[hbm4b:s20+s3] =	stream.linear.scatter [tilespmem:s15], [sflag:$0x7], $0x4000, $0x38;
	[tilespmem:$0x1A400] =	vst v63  }
0x2d: {  	_ =	swait.ge [sflag:s25], $0x4000  }
0x2e: {  	[sflag:s25] =	ssyncset.done $0x0  }
0x2f: {  	s4 =	simm.s32 $0x300;
	[sflag:s25] =	ssyncadd.s32 $0xFFFFC000  }
0x30: {  	[tilespmem:s15], [sflag:$0x2] =	stream.indirect.gather [hbm4b:s2+s13], $0x80, s4, s13, $0xb8;
	[tilespmem:$0x1A400] =	vst v63  }
0x31: {  	_ =	swait.ge [sflag:s26], $0x4000  }
0x32: {  	[sflag:s26] =	ssyncset.done $0x0  }
0x33: {  	s18 =	sadd.s32 $0xFFFFF800, s11;
	[sflag:s26] =	ssyncadd.s32 $0xFFFFC000  }
0x34: {  	[hbm4b:s18+s3] =	stream.linear.scatter [tilespmem:s17], [sflag:$0x8], $0x4000, $0x38;
	[tilespmem:$0x1A400] =	vst v63  }
0x35: {  	_ =	swait.ge [sflag:s28], $0x4000  }
0x36: {  	[sflag:s28] =	ssyncset.done $0x0  }
0x37: {  	s20 =	simm.s32 $0x380;
	[sflag:s28] =	ssyncadd.s32 $0xFFFFC000  }
0x38: {  	[tilespmem:s17], [sflag:$0x3] =	stream.indirect.gather [hbm4b:s2+s13], $0x80, s20, s13, $0xb8;
	[tilespmem:$0x1A400] =	vst v63  }
0x39: {  	_ =	swait.ge [sflag:s29], $0x4000  }
0x3a: {  	[sflag:s29] =	ssyncset.done $0x0  }
0x3b: {  	[sflag:s29] =	ssyncadd.s32 $0xFFFFC000  }
0x3c: {  	[hbm4b:s11+s3] =	stream.linear.scatter [tilespmem:s19], [sflag:$0x9], $0x4000, $0x38;
	[tilespmem:$0x1A400] =	vst v63  }
0x3d: {  	_ =	swait.ge [sflag:s30], $0x4000  }
0x3e: {  	[sflag:s30] =	ssyncset.done $0x0  }
0x3f: {  	s4 =	simm.s32 $0x400;
	[sflag:s30] =	ssyncadd.s32 $0xFFFFC000  }
0x40: {  	[tilespmem:s19], [sflag:$0x4] =	stream.indirect.gather [hbm4b:s2+s13], $0x80, s4, s13, $0xb8;
	[tilespmem:$0x1A400] =	vst v63  }
0x41: {  	_ =	swait.ge [sflag:s31], $0x4000  }
0x42: {  	[sflag:s31] =	ssyncset.done $0x0  }
0x43: {  	s18 =	sadd.s32 $0x800, s11;
	[sflag:s31] =	ssyncadd.s32 $0xFFFFC000  }
0x44: {  	[hbm4b:s18+s3] =	stream.linear.scatter [tilespmem:s21], [sflag:$0xA], $0x4000, $0x38;
	[tilespmem:$0x1A400] =	vst v63  }
0x45: {  	_ =	swait.ge [sflag:s1], $0x4000  }
0x46: {  	[sflag:s1] =	ssyncset.done $0x0  }
0x47: {  	s20 =	simm.s32 $0x480;
	[sflag:s1] =	ssyncadd.s32 $0xFFFFC000  }
0x48: {  	[tilespmem:s21], [sflag:$0x5] =	stream.indirect.gather [hbm4b:s2+s13], $0x80, s20, s13, $0xb8;
	[tilespmem:$0x1A400] =	vst v63  }
0x49: {  	_ =	swait.ge [sflag:s22], $0x4000  }
0x4a: {  	s16 =	simm.s32 $0xA00;
	[sflag:s22] =	ssyncset.done $0x0  }
0x4b: {  	s18 =	sadd.s32 $0x2800, s11;
	s20 =	sadd.s32 $0x1000, s11;
	[sflag:s22] =	ssyncadd.s32 $0xFFFFC000  }
.LBB2_2:
0x4c: {  	[hbm4b:s20+s3] =	stream.linear.scatter [tilespmem:s14], [sflag:$0x6], $0x4000, $0x38;
	[tilespmem:$0x1A400] =	vst v63  }
0x4d: {  	s20 =	smov.u32 s16  }
0x4e: {  	p0 =	sne.s32 s16, $0x17C00;
	s16 =	sadd.s32 $0xA00, s16;
	_ =	swait.ge [sflag:s23], $0x4000  }
0x4f: {  	s20 =	sshra.s32 s20, $0x2;
	[sflag:s23] =	ssyncset.done $0x0  }
0x50: {  	s4 =	sadd.s32 $0x280, s20;
	[sflag:s23] =	ssyncadd.s32 $0xFFFFC000  }
0x51: {  	[tilespmem:s14], [sflag:$0x1] =	stream.indirect.gather [hbm4b:s2+s13], $0x80, s4, s13, $0xb8;
	[tilespmem:$0x1A400] =	vst v63  }
0x52: {  	_ =	swait.ge [sflag:s24], $0x4000  }
0x53: {  	[sflag:s24] =	ssyncset.done $0x0  }
0x54: {  	s4 =	sadd.s32 $0xFFFFF000, s18;
	[sflag:s24] =	ssyncadd.s32 $0xFFFFC000  }
0x55: {  	[hbm4b:s4+s3] =	stream.linear.scatter [tilespmem:s15], [sflag:$0x7], $0x4000, $0x38;
	[tilespmem:$0x1A400] =	vst v63  }
0x56: {  	_ =	swait.ge [sflag:s25], $0x4000  }
0x57: {  	[sflag:s25] =	ssyncset.done $0x0  }
0x58: {  	s4 =	sadd.s32 $0x300, s20;
	[sflag:s25] =	ssyncadd.s32 $0xFFFFC000  }
0x59: {  	[tilespmem:s15], [sflag:$0x2] =	stream.indirect.gather [hbm4b:s2+s13], $0x80, s4, s13, $0xb8;
	[tilespmem:$0x1A400] =	vst v63  }
0x5a: {  	_ =	swait.ge [sflag:s26], $0x4000  }
0x5b: {  	[sflag:s26] =	ssyncset.done $0x0  }
0x5c: {  	s4 =	sadd.s32 $0xFFFFF800, s18;
	[sflag:s26] =	ssyncadd.s32 $0xFFFFC000  }
0x5d: {  	[hbm4b:s4+s3] =	stream.linear.scatter [tilespmem:s17], [sflag:$0x8], $0x4000, $0x38;
	[tilespmem:$0x1A400] =	vst v63  }
0x5e: {  	_ =	swait.ge [sflag:s28], $0x4000  }
0x5f: {  	[sflag:s28] =	ssyncset.done $0x0  }
0x60: {  	s4 =	sadd.s32 $0x380, s20;
	[sflag:s28] =	ssyncadd.s32 $0xFFFFC000  }
0x61: {  	[tilespmem:s17], [sflag:$0x3] =	stream.indirect.gather [hbm4b:s2+s13], $0x80, s4, s13, $0xb8;
	[tilespmem:$0x1A400] =	vst v63  }
0x62: {  	_ =	swait.ge [sflag:s29], $0x4000  }
0x63: {  	[sflag:s29] =	ssyncset.done $0x0  }
0x64: {  	[sflag:s29] =	ssyncadd.s32 $0xFFFFC000  }
0x65: {  	[hbm4b:s18+s3] =	stream.linear.scatter [tilespmem:s19], [sflag:$0x9], $0x4000, $0x38;
	[tilespmem:$0x1A400] =	vst v63  }
0x66: {  	_ =	swait.ge [sflag:s30], $0x4000  }
0x67: {  	[sflag:s30] =	ssyncset.done $0x0  }
0x68: {  	s4 =	sadd.s32 $0x400, s20;
	[sflag:s30] =	ssyncadd.s32 $0xFFFFC000  }
0x69: {  	[tilespmem:s19], [sflag:$0x4] =	stream.indirect.gather [hbm4b:s2+s13], $0x80, s4, s13, $0xb8;
	[tilespmem:$0x1A400] =	vst v63  }
0x6a: {  	_ =	swait.ge [sflag:s31], $0x4000  }
0x6b: {  	[sflag:s31] =	ssyncset.done $0x0  }
0x6c: {  	s4 =	sadd.s32 $0x800, s18;
	[sflag:s31] =	ssyncadd.s32 $0xFFFFC000  }
0x6d: {  	[hbm4b:s4+s3] =	stream.linear.scatter [tilespmem:s21], [sflag:$0xA], $0x4000, $0x38;
	[tilespmem:$0x1A400] =	vst v63  }
0x6e: {  	_ =	swait.ge [sflag:s1], $0x4000  }
0x6f: {  	[sflag:s1] =	ssyncset.done $0x0  }
.Ltmp0:
0x70: {  	s4 =	sadd.s32 $0x480, s20;
	[sflag:s1] =	ssyncadd.s32 $0xFFFFC000;
	(pc) =	sbr.rel @p0 .LBB2_2-.Ltmp0, $4  }
0x71: {  	[tilespmem:s21], [sflag:$0x5] =	stream.indirect.gather [hbm4b:s2+s13], $0x80, s4, s13, $0xb8;
	[tilespmem:$0x1A400] =	vst v63  }
0x72: {  	_ =	swait.ge [sflag:s22], $0x4000  }
0x73: {  	[sflag:s22] =	ssyncset.done $0x0  }
0x74: {  	s20 =	sadd.s32 $0x1000, s18;
	s18 =	sadd.s32 $0x2800, s18;
	[sflag:s22] =	ssyncadd.s32 $0xFFFFC000  }
0x75: {  	[hbm4b:s20+s3] =	stream.linear.scatter [tilespmem:s14], [sflag:$0x6], $0x4000, $0x38;
	[tilespmem:$0x1A400] =	vst v63  }
0x76: {  	_ =	swait.ge [sflag:s24], $0x4000  }
0x77: {  	[sflag:s24] =	ssyncset.done $0x0  }
0x78: {  	[sflag:s24] =	ssyncadd.s32 $0xFFFFC000  }
0x79: {  	[hbm4b:s6+s3] =	stream.linear.scatter [tilespmem:s15], [sflag:$0x7], $0x4000, $0x38;
	[tilespmem:$0x1A400] =	vst v63  }
0x7a: {  	_ =	swait.ge [sflag:s26], $0x4000  }
0x7b: {  	[sflag:s26] =	ssyncset.done $0x0  }
0x7c: {  	[sflag:s26] =	ssyncadd.s32 $0xFFFFC000  }
0x7d: {  	[hbm4b:s7+s3] =	stream.linear.scatter [tilespmem:s17], [sflag:$0x8], $0x4000, $0x38;
	[tilespmem:$0x1A400] =	vst v63  }
0x7e: {  	_ =	swait.ge [sflag:s29], $0x4000  }
0x7f: {  	[sflag:s29] =	ssyncset.done $0x0  }
0x80: {  	[sflag:s29] =	ssyncadd.s32 $0xFFFFC000  }
0x81: {  	[hbm4b:s8+s3] =	stream.linear.scatter [tilespmem:s19], [sflag:$0x9], $0x4000, $0x38;
	[tilespmem:$0x1A400] =	vst v63  }
0x82: {  	_ =	swait.ge [sflag:s31], $0x4000  }
0x83: {  	[sflag:s31] =	ssyncset.done $0x0  }
0x84: {  	[sflag:s31] =	ssyncadd.s32 $0xFFFFC000  }
0x85: {  	[hbm4b:s9+s3] =	stream.linear.scatter [tilespmem:s21], [sflag:$0xA], $0x4000, $0x38;
	[tilespmem:$0x1A400] =	vst v63  }
0x86: {  	_ =	swait.ge [sflag:s23], $0x4000  }
0x87: {  	[sflag:s23] =	ssyncset.done $0x0  }
0x88: {  	[sflag:s23] =	ssyncadd.s32 $0xFFFFC000  }
0x89: {  	_ =	swait.ge [sflag:s25], $0x4000  }
0x8a: {  	[sflag:s25] =	ssyncset.done $0x0  }
0x8b: {  	[sflag:s25] =	ssyncadd.s32 $0xFFFFC000  }
0x8c: {  	_ =	swait.ge [sflag:s28], $0x4000  }
0x8d: {  	[sflag:s28] =	ssyncset.done $0x0  }
0x8e: {  	s0 =	sadd.s32 $0x1, s0;
	[sflag:s28] =	ssyncadd.s32 $0xFFFFC000  }
0x8f: {  	p0 =	sne.s32 s0, s10;
	_ =	swait.ge [sflag:s30], $0x4000  }
.Ltmp1:
0x90: {  	[sflag:s30] =	ssyncset.done $0x0;
	(pc) =	sbr.rel @p0 .LBB2_1-.Ltmp1, $4  }
0x91: {  	[sflag:s30] =	ssyncadd.s32 $0xFFFFC000  }
0x92: {  	_ =	swait.ge [sflag:s1], $0x4000  }
0x93: {  	[sflag:s1] =	ssyncset.done $0x0  }
0x94: {  	[sflag:s1] =	ssyncadd.s32 $0xFFFFC000  }
0x95: {  	_ =	sfence.sel $0x180000  }
0x96: {  	[bflag:$0x0] =	sbarrier.arrive $0xFFFF  }
0x97: {  	_ =	strace $0x90000047  }
0x98: {  	s0 =	stileid.u32;
	[bflag:$0x2] =	sbarrier.arrive $0xFFFF  }
0x99: {  	p0 =	sne.s32 s0, $0x0;
	s0 =	rddreg [dreg:$0x3]  }
0x9a: {  	s0 =	sadd.s32 @!p0 $0x100000, s0  }
0x9b: {  	[sflag:s0] =	ssyncadd.tile.s32 @!p0 $0x1;
	_ =	shalt  }
.Lfunc_end2:
_tile_overlayer_lowered:
.L_overlay_start_2:
0x9c: {  	(tag) =	ssettag $0x2  }
0x9d: {  	s0 =	rddreg [dreg:$0x0];
	s2 =	stileid.u32  }
0x9e: {  	s1 =	rddreg [dreg:$0x1];
	p0 =	sne.s32 s2, $0x0  }
0x9f: {  	s3 =	rddreg [dreg:$0x2];
	[bflag:$0x3] =	sbarrier.arrive $0xFFFF;
	s2 =	simm.s32 @!p0 $0x1C0B  }
0xa0: {  	[timem:s3], [sflag:s2] =	dma.local @!p0 [hbm:s0], s1  }
0xa1: {  	s0 =	simm.s32 @!p0 $0xB  }
0xa2: {  	_ =	swait.ge @!p0 [sflag:s0], s1  }
0xa3: {  	s1 =	ssub.s32 @!p0 $0x0, s1;
	[sflag:s0] =	ssyncset.done @!p0 $0x0  }
0xa4: {  	[sflag:s0] =	ssyncadd.s32 @!p0 s1  }
0xa5: {  	[bflag:$0x3] =	sbarrier.arrive $0xFFFF  }
0xa6: {  	_ =	shalt  }

</sc_bundles>
